<compile_context>
chip_gen: v7x
topology: tpu7x:2x2x1
jax: 0.10.2.dev20260603
libtpu: 0.0.44.dev20260713+nightly
codegen_flags: <defaults>
</compile_context>

<pallas_src>
import functools

import jax
import jax.numpy as jnp
from jax import lax
from jax.experimental import pallas as pl
from jax.experimental.pallas import tpu as pltpu
from jax.experimental.pallas import tpu_sc as plsc


def kernel(emb, W):
    n_ctx, n_embd = W.shape
    seq_len = emb.shape[1]
    nw = 32
    rows_per_w = seq_len // nw
    chunk = 16
    nchunks = rows_per_w // chunk
    mesh = plsc.VectorSubcoreMesh(core_axis_name="c", subcore_axis_name="s")

    @functools.partial(
        pl.kernel,
        mesh=mesh,
        out_type=jax.ShapeDtypeStruct((seq_len, n_embd), jnp.float32),
        scratch_types=[
            pltpu.VMEM((chunk, n_embd), jnp.float32),
            pltpu.VMEM((chunk, n_embd), jnp.float32),
            pltpu.SemaphoreType.DMA,
            pltpu.SemaphoreType.DMA,
            pltpu.SemaphoreType.DMA,
            pltpu.SemaphoreType.DMA,
        ],
    )
    def sc_copy(w_hbm, o_hbm, buf0, buf1, ls0, ls1, ss0, ss1):
        wid = lax.axis_index("s") * 2 + lax.axis_index("c")
        base = wid * rows_per_w
        bufs = (buf0, buf1)
        lsems = (ls0, ls1)
        ssems = (ss0, ss1)
        loads = [None, None]
        stores = [None, None]
        loads[0] = pltpu.async_copy(w_hbm.at[pl.ds(base, chunk)], buf0, ls0)
        for i in range(nchunks):
            b = i & 1
            nb = (i + 1) & 1
            if i + 1 < nchunks:
                if stores[nb] is not None:
                    stores[nb].wait()
                loads[nb] = pltpu.async_copy(
                    w_hbm.at[pl.ds(base + (i + 1) * chunk, chunk)],
                    bufs[nb], lsems[nb])
            loads[b].wait()
            stores[b] = pltpu.async_copy(
                bufs[b], o_hbm.at[pl.ds(base + i * chunk, chunk)], ssems[b])
        stores[0].wait()
        stores[1].wait()

    return sc_copy(W)[None, :, :]

# --- scband reference (transcript-rebuilt; emitter-appended) ---
"""Pipeline reference for scband-positional-embeddings-62277025792269 (READ-ONLY COPY).

The authoritative reference and input builder live on the scoring server;
editing this copy changes nothing except your own understanding.
"""

import jax, jax.numpy as jnp
import numpy as np

N_CTX = 8192
N_EMBD = 2048

def setup_inputs(seed: int = 0) -> dict:
    key = jax.random.key(seed)
    k1, k2 = jax.random.split(key)
    emb = jax.random.normal(k1, (4, 8192, 2048), dtype=jnp.float32)
    # nn.Embedding default init: N(0, 1)
    W = jax.random.normal(k2, (N_CTX, N_EMBD), dtype=jnp.float32)
    return {"emb": emb, "W": W}

def reference(emb, W):
    # emb.permute(1, 0, 2) -> (seq_len, batch, dim); positions over seq_len
    x = jnp.transpose(emb, (1, 0, 2))
    positions = jnp.arange(0, x.shape[0], dtype=jnp.int32)
    out = jnp.take(W, positions, axis=0)  # (seq_len, n_embd)
    return out[None, :, :]  # (1, seq_len, n_embd)

if __name__ == "__main__":
    import jax
    _d = setup_inputs()
    print(jax.jit(kernel)(*tuple(_d.values())))

</pallas_src>

<mosaic_0001>
#map = affine_map<(d0, d1) -> (0, 0)>
module attributes {stable_mosaic.version = 14 : i64} {
  func.func @sc_copy(%arg0: i32, %arg1: i32, %arg2: memref<8192x2048xf32, #tpu.memory_space<hbm>>, %arg3: memref<8192x2048xf32, #tpu.memory_space<hbm>>, %arg4: memref<16x2048xf32, #tpu.memory_space<vmem>>, %arg5: memref<16x2048xf32, #tpu.memory_space<vmem>>, %arg6: memref<!tpu.dma_semaphore, #tpu.memory_space<semaphore_mem>>, %arg7: memref<!tpu.dma_semaphore, #tpu.memory_space<semaphore_mem>>, %arg8: memref<!tpu.dma_semaphore, #tpu.memory_space<semaphore_mem>>, %arg9: memref<!tpu.dma_semaphore, #tpu.memory_space<semaphore_mem>>) attributes {dimension_semantics = [#tpu.dimension_semantics<core_parallel>, #tpu.dimension_semantics<subcore_parallel>], iteration_bounds = array<i64: 2, 16>, scalar_prefetch = 0 : i64, scratch_operands = 6 : i64, tpu.core_type = #tpu.core_type<sc_vector_subcore>, window_params = [{transform_indices = #map}, {transform_indices = #map}]} {
    %mul3A = arith.constant 2 : i32
    %mul3A_0 = arith.muli %arg1, %mul3A : i32
    %add3A = arith.addi %mul3A_0, %arg0 : i32
    %mul3A_1 = arith.constant 256 : i32
    %mul3A_2 = arith.muli %add3A, %mul3A_1 : i32
    %dma_start3A = arith.constant 0 : i32
    %dma_start3A_3 = tpu.memref_slice %arg2[%mul3A_2, %dma_start3A] : memref<8192x2048xf32, #tpu.memory_space<hbm>> -> memref<16x2048xf32, #tpu.memory_space<hbm>>
    %dma_start3A_4 = arith.constant 0 : i32
    %dma_start3A_5 = tpu.memref_slice %arg2[%mul3A_2, %dma_start3A_4] : memref<8192x2048xf32, #tpu.memory_space<hbm>> -> memref<16x2048xf32, #tpu.memory_space<hbm>>
    tpu.enqueue_dma source(%dma_start3A_5 : memref<16x2048xf32, #tpu.memory_space<hbm>>) target(%arg4 : memref<16x2048xf32, #tpu.memory_space<vmem>>) target_semaphore(%arg6 : memref<!tpu.dma_semaphore, #tpu.memory_space<semaphore_mem>>)
    %add3A_6 = arith.constant 16 : i32
    %add3A_7 = arith.addi %mul3A_2, %add3A_6 : i32
    %dma_start3A_8 = arith.constant 0 : i32
    %dma_start3A_9 = tpu.memref_slice %arg2[%add3A_7, %dma_start3A_8] : memref<8192x2048xf32, #tpu.memory_space<hbm>> -> memref<16x2048xf32, #tpu.memory_space<hbm>>
    %dma_start3A_10 = arith.constant 0 : i32
    %dma_start3A_11 = tpu.memref_slice %arg2[%add3A_7, %dma_start3A_10] : memref<8192x2048xf32, #tpu.memory_space<hbm>> -> memref<16x2048xf32, #tpu.memory_space<hbm>>
    tpu.enqueue_dma source(%dma_start3A_11 : memref<16x2048xf32, #tpu.memory_space<hbm>>) target(%arg5 : memref<16x2048xf32, #tpu.memory_space<vmem>>) target_semaphore(%arg7 : memref<!tpu.dma_semaphore, #tpu.memory_space<semaphore_mem>>)
    %dma_wait3A = arith.constant 0 : i32
    %dma_wait3A_12 = tpu.memref_slice %arg2[%mul3A_2, %dma_wait3A] : memref<8192x2048xf32, #tpu.memory_space<hbm>> -> memref<16x2048xf32, #tpu.memory_space<hbm>>
    %dma_wait3A_13 = arith.constant 0 : i32
    %dma_wait3A_14 = tpu.memref_slice %arg2[%mul3A_2, %dma_wait3A_13] : memref<8192x2048xf32, #tpu.memory_space<hbm>> -> memref<16x2048xf32, #tpu.memory_space<hbm>>
    tpu.wait_dma2 semaphore(%arg6 : memref<!tpu.dma_semaphore, #tpu.memory_space<semaphore_mem>>) src(%dma_wait3A_14 : memref<16x2048xf32, #tpu.memory_space<hbm>>) dst(%arg4 : memref<16x2048xf32, #tpu.memory_space<vmem>>)
    %add3A_15 = arith.constant 0 : i32
    %add3A_16 = arith.addi %mul3A_2, %add3A_15 : i32
    %dma_start3A_17 = arith.constant 0 : i32
    %dma_start3A_18 = tpu.memref_slice %arg3[%add3A_16, %dma_start3A_17] : memref<8192x2048xf32, #tpu.memory_space<hbm>> -> memref<16x2048xf32, #tpu.memory_space<hbm>>
    %dma_start3A_19 = arith.constant 0 : i32
    %dma_start3A_20 = tpu.memref_slice %arg3[%add3A_16, %dma_start3A_19] : memref<8192x2048xf32, #tpu.memory_space<hbm>> -> memref<16x2048xf32, #tpu.memory_space<hbm>>
    tpu.enqueue_dma source(%arg4 : memref<16x2048xf32, #tpu.memory_space<vmem>>) target(%dma_start3A_20 : memref<16x2048xf32, #tpu.memory_space<hbm>>) target_semaphore(%arg8 : memref<!tpu.dma_semaphore, #tpu.memory_space<semaphore_mem>>)
    %dma_wait3A_21 = arith.constant 0 : i32
    %dma_wait3A_22 = tpu.memref_slice %arg3[%add3A_16, %dma_wait3A_21] : memref<8192x2048xf32, #tpu.memory_space<hbm>> -> memref<16x2048xf32, #tpu.memory_space<hbm>>
    %dma_wait3A_23 = arith.constant 0 : i32
    %dma_wait3A_24 = tpu.memref_slice %arg3[%add3A_16, %dma_wait3A_23] : memref<8192x2048xf32, #tpu.memory_space<hbm>> -> memref<16x2048xf32, #tpu.memory_space<hbm>>
    tpu.wait_dma2 semaphore(%arg8 : memref<!tpu.dma_semaphore, #tpu.memory_space<semaphore_mem>>) src(%arg4 : memref<16x2048xf32, #tpu.memory_space<vmem>>) dst(%dma_wait3A_24 : memref<16x2048xf32, #tpu.memory_space<hbm>>)
    %add3A_25 = arith.constant 32 : i32
    %add3A_26 = arith.addi %mul3A_2, %add3A_25 : i32
    %dma_start3A_27 = arith.constant 0 : i32
    %dma_start3A_28 = tpu.memref_slice %arg2[%add3A_26, %dma_start3A_27] : memref<8192x2048xf32, #tpu.memory_space<hbm>> -> memref<16x2048xf32, #tpu.memory_space<hbm>>
    %dma_start3A_29 = arith.constant 0 : i32
    %dma_start3A_30 = tpu.memref_slice %arg2[%add3A_26, %dma_start3A_29] : memref<8192x2048xf32, #tpu.memory_space<hbm>> -> memref<16x2048xf32, #tpu.memory_space<hbm>>
    tpu.enqueue_dma source(%dma_start3A_30 : memref<16x2048xf32, #tpu.memory_space<hbm>>) target(%arg4 : memref<16x2048xf32, #tpu.memory_space<vmem>>) target_semaphore(%arg6 : memref<!tpu.dma_semaphore, #tpu.memory_space<semaphore_mem>>)
    %dma_wait3A_31 = arith.constant 0 : i32
    %dma_wait3A_32 = tpu.memref_slice %arg2[%add3A_7, %dma_wait3A_31] : memref<8192x2048xf32, #tpu.memory_space<hbm>> -> memref<16x2048xf32, #tpu.memory_space<hbm>>
    %dma_wait3A_33 = arith.constant 0 : i32
    %dma_wait3A_34 = tpu.memref_slice %arg2[%add3A_7, %dma_wait3A_33] : memref<8192x2048xf32, #tpu.memory_space<hbm>> -> memref<16x2048xf32, #tpu.memory_space<hbm>>
    tpu.wait_dma2 semaphore(%arg7 : memref<!tpu.dma_semaphore, #tpu.memory_space<semaphore_mem>>) src(%dma_wait3A_34 : memref<16x2048xf32, #tpu.memory_space<hbm>>) dst(%arg5 : memref<16x2048xf32, #tpu.memory_space<vmem>>)
    %add3A_35 = arith.constant 16 : i32
    %add3A_36 = arith.addi %mul3A_2, %add3A_35 : i32
    %dma_start3A_37 = arith.constant 0 : i32
    %dma_start3A_38 = tpu.memref_slice %arg3[%add3A_36, %dma_start3A_37] : memref<8192x2048xf32, #tpu.memory_space<hbm>> -> memref<16x2048xf32, #tpu.memory_space<hbm>>
    %dma_start3A_39 = arith.constant 0 : i32
    %dma_start3A_40 = tpu.memref_slice %arg3[%add3A_36, %dma_start3A_39] : memref<8192x2048xf32, #tpu.memory_space<hbm>> -> memref<16x2048xf32, #tpu.memory_space<hbm>>
    tpu.enqueue_dma source(%arg5 : memref<16x2048xf32, #tpu.memory_space<vmem>>) target(%dma_start3A_40 : memref<16x2048xf32, #tpu.memory_space<hbm>>) target_semaphore(%arg9 : memref<!tpu.dma_semaphore, #tpu.memory_space<semaphore_mem>>)
    %dma_wait3A_41 = arith.constant 0 : i32
    %dma_wait3A_42 = tpu.memref_slice %arg3[%add3A_36, %dma_wait3A_41] : memref<8192x2048xf32, #tpu.memory_space<hbm>> -> memref<16x2048xf32, #tpu.memory_space<hbm>>
    %dma_wait3A_43 = arith.constant 0 : i32
    %dma_wait3A_44 = tpu.memref_slice %arg3[%add3A_36, %dma_wait3A_43] : memref<8192x2048xf32, #tpu.memory_space<hbm>> -> memref<16x2048xf32, #tpu.memory_space<hbm>>
    tpu.wait_dma2 semaphore(%arg9 : memref<!tpu.dma_semaphore, #tpu.memory_space<semaphore_mem>>) src(%arg5 : memref<16x2048xf32, #tpu.memory_space<vmem>>) dst(%dma_wait3A_44 : memref<16x2048xf32, #tpu.memory_space<hbm>>)
    %add3A_45 = arith.constant 48 : i32
    %add3A_46 = arith.addi %mul3A_2, %add3A_45 : i32
    %dma_start3A_47 = arith.constant 0 : i32
    %dma_start3A_48 = tpu.memref_slice %arg2[%add3A_46, %dma_start3A_47] : memref<8192x2048xf32, #tpu.memory_space<hbm>> -> memref<16x2048xf32, #tpu.memory_space<hbm>>
    %dma_start3A_49 = arith.constant 0 : i32
    %dma_start3A_50 = tpu.memref_slice %arg2[%add3A_46, %dma_start3A_49] : memref<8192x2048xf32, #tpu.memory_space<hbm>> -> memref<16x2048xf32, #tpu.memory_space<hbm>>
    tpu.enqueue_dma source(%dma_start3A_50 : memref<16x2048xf32, #tpu.memory_space<hbm>>) target(%arg5 : memref<16x2048xf32, #tpu.memory_space<vmem>>) target_semaphore(%arg7 : memref<!tpu.dma_semaphore, #tpu.memory_space<semaphore_mem>>)
    %dma_wait3A_51 = arith.constant 0 : i32
    %dma_wait3A_52 = tpu.memref_slice %arg2[%add3A_26, %dma_wait3A_51] : memref<8192x2048xf32, #tpu.memory_space<hbm>> -> memref<16x2048xf32, #tpu.memory_space<hbm>>
    %dma_wait3A_53 = arith.constant 0 : i32
    %dma_wait3A_54 = tpu.memref_slice %arg2[%add3A_26, %dma_wait3A_53] : memref<8192x2048xf32, #tpu.memory_space<hbm>> -> memref<16x2048xf32, #tpu.memory_space<hbm>>
    tpu.wait_dma2 semaphore(%arg6 : memref<!tpu.dma_semaphore, #tpu.memory_space<semaphore_mem>>) src(%dma_wait3A_54 : memref<16x2048xf32, #tpu.memory_space<hbm>>) dst(%arg4 : memref<16x2048xf32, #tpu.memory_space<vmem>>)
    %add3A_55 = arith.constant 32 : i32
    %add3A_56 = arith.addi %mul3A_2, %add3A_55 : i32
    %dma_start3A_57 = arith.constant 0 : i32
    %dma_start3A_58 = tpu.memref_slice %arg3[%add3A_56, %dma_start3A_57] : memref<8192x2048xf32, #tpu.memory_space<hbm>> -> memref<16x2048xf32, #tpu.memory_space<hbm>>
    %dma_start3A_59 = arith.constant 0 : i32
    %dma_start3A_60 = tpu.memref_slice %arg3[%add3A_56, %dma_start3A_59] : memref<8192x2048xf32, #tpu.memory_space<hbm>> -> memref<16x2048xf32, #tpu.memory_space<hbm>>
    tpu.enqueue_dma source(%arg4 : memref<16x2048xf32, #tpu.memory_space<vmem>>) target(%dma_start3A_60 : memref<16x2048xf32, #tpu.memory_space<hbm>>) target_semaphore(%arg8 : memref<!tpu.dma_semaphore, #tpu.memory_space<semaphore_mem>>)
    %dma_wait3A_61 = arith.constant 0 : i32
    %dma_wait3A_62 = tpu.memref_slice %arg3[%add3A_56, %dma_wait3A_61] : memref<8192x2048xf32, #tpu.memory_space<hbm>> -> memref<16x2048xf32, #tpu.memory_space<hbm>>
    %dma_wait3A_63 = arith.constant 0 : i32
    %dma_wait3A_64 = tpu.memref_slice %arg3[%add3A_56, %dma_wait3A_63] : memref<8192x2048xf32, #tpu.memory_space<hbm>> -> memref<16x2048xf32, #tpu.memory_space<hbm>>
    tpu.wait_dma2 semaphore(%arg8 : memref<!tpu.dma_semaphore, #tpu.memory_space<semaphore_mem>>) src(%arg4 : memref<16x2048xf32, #tpu.memory_space<vmem>>) dst(%dma_wait3A_64 : memref<16x2048xf32, #tpu.memory_space<hbm>>)
    %add3A_65 = arith.constant 64 : i32
    %add3A_66 = arith.addi %mul3A_2, %add3A_65 : i32
    %dma_start3A_67 = arith.constant 0 : i32
    %dma_start3A_68 = tpu.memref_slice %arg2[%add3A_66, %dma_start3A_67] : memref<8192x2048xf32, #tpu.memory_space<hbm>> -> memref<16x2048xf32, #tpu.memory_space<hbm>>
    %dma_start3A_69 = arith.constant 0 : i32
    %dma_start3A_70 = tpu.memref_slice %arg2[%add3A_66, %dma_start3A_69] : memref<8192x2048xf32, #tpu.memory_space<hbm>> -> memref<16x2048xf32, #tpu.memory_space<hbm>>
    tpu.enqueue_dma source(%dma_start3A_70 : memref<16x2048xf32, #tpu.memory_space<hbm>>) target(%arg4 : memref<16x2048xf32, #tpu.memory_space<vmem>>) target_semaphore(%arg6 : memref<!tpu.dma_semaphore, #tpu.memory_space<semaphore_mem>>)
    %dma_wait3A_71 = arith.constant 0 : i32
    %dma_wait3A_72 = tpu.memref_slice %arg2[%add3A_46, %dma_wait3A_71] : memref<8192x2048xf32, #tpu.memory_space<hbm>> -> memref<16x2048xf32, #tpu.memory_space<hbm>>
    %dma_wait3A_73 = arith.constant 0 : i32
    %dma_wait3A_74 = tpu.memref_slice %arg2[%add3A_46, %dma_wait3A_73] : memref<8192x2048xf32, #tpu.memory_space<hbm>> -> memref<16x2048xf32, #tpu.memory_space<hbm>>
    tpu.wait_dma2 semaphore(%arg7 : memref<!tpu.dma_semaphore, #tpu.memory_space<semaphore_mem>>) src(%dma_wait3A_74 : memref<16x2048xf32, #tpu.memory_space<hbm>>) dst(%arg5 : memref<16x2048xf32, #tpu.memory_space<vmem>>)
    %add3A_75 = arith.constant 48 : i32
    %add3A_76 = arith.addi %mul3A_2, %add3A_75 : i32
    %dma_start3A_77 = arith.constant 0 : i32
    %dma_start3A_78 = tpu.memref_slice %arg3[%add3A_76, %dma_start3A_77] : memref<8192x2048xf32, #tpu.memory_space<hbm>> -> memref<16x2048xf32, #tpu.memory_space<hbm>>
    %dma_start3A_79 = arith.constant 0 : i32
    %dma_start3A_80 = tpu.memref_slice %arg3[%add3A_76, %dma_start3A_79] : memref<8192x2048xf32, #tpu.memory_space<hbm>> -> memref<16x2048xf32, #tpu.memory_space<hbm>>
    tpu.enqueue_dma source(%arg5 : memref<16x2048xf32, #tpu.memory_space<vmem>>) target(%dma_start3A_80 : memref<16x2048xf32, #tpu.memory_space<hbm>>) target_semaphore(%arg9 : memref<!tpu.dma_semaphore, #tpu.memory_space<semaphore_mem>>)
    %dma_wait3A_81 = arith.constant 0 : i32
    %dma_wait3A_82 = tpu.memref_slice %arg3[%add3A_76, %dma_wait3A_81] : memref<8192x2048xf32, #tpu.memory_space<hbm>> -> memref<16x2048xf32, #tpu.memory_space<hbm>>
    %dma_wait3A_83 = arith.constant 0 : i32
    %dma_wait3A_84 = tpu.memref_slice %arg3[%add3A_76, %dma_wait3A_83] : memref<8192x2048xf32, #tpu.memory_space<hbm>> -> memref<16x2048xf32, #tpu.memory_space<hbm>>
    tpu.wait_dma2 semaphore(%arg9 : memref<!tpu.dma_semaphore, #tpu.memory_space<semaphore_mem>>) src(%arg5 : memref<16x2048xf32, #tpu.memory_space<vmem>>) dst(%dma_wait3A_84 : memref<16x2048xf32, #tpu.memory_space<hbm>>)
    %add3A_85 = arith.constant 80 : i32
    %add3A_86 = arith.addi %mul3A_2, %add3A_85 : i32
    %dma_start3A_87 = arith.constant 0 : i32
    %dma_start3A_88 = tpu.memref_slice %arg2[%add3A_86, %dma_start3A_87] : memref<8192x2048xf32, #tpu.memory_space<hbm>> -> memref<16x2048xf32, #tpu.memory_space<hbm>>
    %dma_start3A_89 = arith.constant 0 : i32
    %dma_start3A_90 = tpu.memref_slice %arg2[%add3A_86, %dma_start3A_89] : memref<8192x2048xf32, #tpu.memory_space<hbm>> -> memref<16x2048xf32, #tpu.memory_space<hbm>>
    tpu.enqueue_dma source(%dma_start3A_90 : memref<16x2048xf32, #tpu.memory_space<hbm>>) target(%arg5 : memref<16x2048xf32, #tpu.memory_space<vmem>>) target_semaphore(%arg7 : memref<!tpu.dma_semaphore, #tpu.memory_space<semaphore_mem>>)
    %dma_wait3A_91 = arith.constant 0 : i32
    %dma_wait3A_92 = tpu.memref_slice %arg2[%add3A_66, %dma_wait3A_91] : memref<8192x2048xf32, #tpu.memory_space<hbm>> -> memref<16x2048xf32, #tpu.memory_space<hbm>>
    %dma_wait3A_93 = arith.constant 0 : i32
    %dma_wait3A_94 = tpu.memref_slice %arg2[%add3A_66, %dma_wait3A_93] : memref<8192x2048xf32, #tpu.memory_space<hbm>> -> memref<16x2048xf32, #tpu.memory_space<hbm>>
    tpu.wait_dma2 semaphore(%arg6 : memref<!tpu.dma_semaphore, #tpu.memory_space<semaphore_mem>>) src(%dma_wait3A_94 : memref<16x2048xf32, #tpu.memory_space<hbm>>) dst(%arg4 : memref<16x2048xf32, #tpu.memory_space<vmem>>)
    %add3A_95 = arith.constant 64 : i32
    %add3A_96 = arith.addi %mul3A_2, %add3A_95 : i32
    %dma_start3A_97 = arith.constant 0 : i32
    %dma_start3A_98 = tpu.memref_slice %arg3[%add3A_96, %dma_start3A_97] : memref<8192x2048xf32, #tpu.memory_space<hbm>> -> memref<16x2048xf32, #tpu.memory_space<hbm>>
    %dma_start3A_99 = arith.constant 0 : i32
    %dma_start3A_100 = tpu.memref_slice %arg3[%add3A_96, %dma_start3A_99] : memref<8192x2048xf32, #tpu.memory_space<hbm>> -> memref<16x2048xf32, #tpu.memory_space<hbm>>
    tpu.enqueue_dma source(%arg4 : memref<16x2048xf32, #tpu.memory_space<vmem>>) target(%dma_start3A_100 : memref<16x2048xf32, #tpu.memory_space<hbm>>) target_semaphore(%arg8 : memref<!tpu.dma_semaphore, #tpu.memory_space<semaphore_mem>>)
    %dma_wait3A_101 = arith.constant 0 : i32
    %dma_wait3A_102 = tpu.memref_slice %arg3[%add3A_96, %dma_wait3A_101] : memref<8192x2048xf32, #tpu.memory_space<hbm>> -> memref<16x2048xf32, #tpu.memory_space<hbm>>
    %dma_wait3A_103 = arith.constant 0 : i32
    %dma_wait3A_104 = tpu.memref_slice %arg3[%add3A_96, %dma_wait3A_103] : memref<8192x2048xf32, #tpu.memory_space<hbm>> -> memref<16x2048xf32, #tpu.memory_space<hbm>>
    tpu.wait_dma2 semaphore(%arg8 : memref<!tpu.dma_semaphore, #tpu.memory_space<semaphore_mem>>) src(%arg4 : memref<16x2048xf32, #tpu.memory_space<vmem>>) dst(%dma_wait3A_104 : memref<16x2048xf32, #tpu.memory_space<hbm>>)
    %add3A_105 = arith.constant 96 : i32
    %add3A_106 = arith.addi %mul3A_2, %add3A_105 : i32
    %dma_start3A_107 = arith.constant 0 : i32
    %dma_start3A_108 = tpu.memref_slice %arg2[%add3A_106, %dma_start3A_107] : memref<8192x2048xf32, #tpu.memory_space<hbm>> -> memref<16x2048xf32, #tpu.memory_space<hbm>>
    %dma_start3A_109 = arith.constant 0 : i32
    %dma_start3A_110 = tpu.memref_slice %arg2[%add3A_106, %dma_start3A_109] : memref<8192x2048xf32, #tpu.memory_space<hbm>> -> memref<16x2048xf32, #tpu.memory_space<hbm>>
    tpu.enqueue_dma source(%dma_start3A_110 : memref<16x2048xf32, #tpu.memory_space<hbm>>) target(%arg4 : memref<16x2048xf32, #tpu.memory_space<vmem>>) target_semaphore(%arg6 : memref<!tpu.dma_semaphore, #tpu.memory_space<semaphore_mem>>)
    %dma_wait3A_111 = arith.constant 0 : i32
    %dma_wait3A_112 = tpu.memref_slice %arg2[%add3A_86, %dma_wait3A_111] : memref<8192x2048xf32, #tpu.memory_space<hbm>> -> memref<16x2048xf32, #tpu.memory_space<hbm>>
    %dma_wait3A_113 = arith.constant 0 : i32
    %dma_wait3A_114 = tpu.memref_slice %arg2[%add3A_86, %dma_wait3A_113] : memref<8192x2048xf32, #tpu.memory_space<hbm>> -> memref<16x2048xf32, #tpu.memory_space<hbm>>
    tpu.wait_dma2 semaphore(%arg7 : memref<!tpu.dma_semaphore, #tpu.memory_space<semaphore_mem>>) src(%dma_wait3A_114 : memref<16x2048xf32, #tpu.memory_space<hbm>>) dst(%arg5 : memref<16x2048xf32, #tpu.memory_space<vmem>>)
    %add3A_115 = arith.constant 80 : i32
    %add3A_116 = arith.addi %mul3A_2, %add3A_115 : i32
    %dma_start3A_117 = arith.constant 0 : i32
    %dma_start3A_118 = tpu.memref_slice %arg3[%add3A_116, %dma_start3A_117] : memref<8192x2048xf32, #tpu.memory_space<hbm>> -> memref<16x2048xf32, #tpu.memory_space<hbm>>
    %dma_start3A_119 = arith.constant 0 : i32
    %dma_start3A_120 = tpu.memref_slice %arg3[%add3A_116, %dma_start3A_119] : memref<8192x2048xf32, #tpu.memory_space<hbm>> -> memref<16x2048xf32, #tpu.memory_space<hbm>>
    tpu.enqueue_dma source(%arg5 : memref<16x2048xf32, #tpu.memory_space<vmem>>) target(%dma_start3A_120 : memref<16x2048xf32, #tpu.memory_space<hbm>>) target_semaphore(%arg9 : memref<!tpu.dma_semaphore, #tpu.memory_space<semaphore_mem>>)
    %dma_wait3A_121 = arith.constant 0 : i32
    %dma_wait3A_122 = tpu.memref_slice %arg3[%add3A_116, %dma_wait3A_121] : memref<8192x2048xf32, #tpu.memory_space<hbm>> -> memref<16x2048xf32, #tpu.memory_space<hbm>>
    %dma_wait3A_123 = arith.constant 0 : i32
    %dma_wait3A_124 = tpu.memref_slice %arg3[%add3A_116, %dma_wait3A_123] : memref<8192x2048xf32, #tpu.memory_space<hbm>> -> memref<16x2048xf32, #tpu.memory_space<hbm>>
    tpu.wait_dma2 semaphore(%arg9 : memref<!tpu.dma_semaphore, #tpu.memory_space<semaphore_mem>>) src(%arg5 : memref<16x2048xf32, #tpu.memory_space<vmem>>) dst(%dma_wait3A_124 : memref<16x2048xf32, #tpu.memory_space<hbm>>)
    %add3A_125 = arith.constant 112 : i32
    %add3A_126 = arith.addi %mul3A_2, %add3A_125 : i32
    %dma_start3A_127 = arith.constant 0 : i32
    %dma_start3A_128 = tpu.memref_slice %arg2[%add3A_126, %dma_start3A_127] : memref<8192x2048xf32, #tpu.memory_space<hbm>> -> memref<16x2048xf32, #tpu.memory_space<hbm>>
    %dma_start3A_129 = arith.constant 0 : i32
    %dma_start3A_130 = tpu.memref_slice %arg2[%add3A_126, %dma_start3A_129] : memref<8192x2048xf32, #tpu.memory_space<hbm>> -> memref<16x2048xf32, #tpu.memory_space<hbm>>
    tpu.enqueue_dma source(%dma_start3A_130 : memref<16x2048xf32, #tpu.memory_space<hbm>>) target(%arg5 : memref<16x2048xf32, #tpu.memory_space<vmem>>) target_semaphore(%arg7 : memref<!tpu.dma_semaphore, #tpu.memory_space<semaphore_mem>>)
    %dma_wait3A_131 = arith.constant 0 : i32
    %dma_wait3A_132 = tpu.memref_slice %arg2[%add3A_106, %dma_wait3A_131] : memref<8192x2048xf32, #tpu.memory_space<hbm>> -> memref<16x2048xf32, #tpu.memory_space<hbm>>
    %dma_wait3A_133 = arith.constant 0 : i32
    %dma_wait3A_134 = tpu.memref_slice %arg2[%add3A_106, %dma_wait3A_133] : memref<8192x2048xf32, #tpu.memory_space<hbm>> -> memref<16x2048xf32, #tpu.memory_space<hbm>>
    tpu.wait_dma2 semaphore(%arg6 : memref<!tpu.dma_semaphore, #tpu.memory_space<semaphore_mem>>) src(%dma_wait3A_134 : memref<16x2048xf32, #tpu.memory_space<hbm>>) dst(%arg4 : memref<16x2048xf32, #tpu.memory_space<vmem>>)
    %add3A_135 = arith.constant 96 : i32
    %add3A_136 = arith.addi %mul3A_2, %add3A_135 : i32
    %dma_start3A_137 = arith.constant 0 : i32
    %dma_start3A_138 = tpu.memref_slice %arg3[%add3A_136, %dma_start3A_137] : memref<8192x2048xf32, #tpu.memory_space<hbm>> -> memref<16x2048xf32, #tpu.memory_space<hbm>>
    %dma_start3A_139 = arith.constant 0 : i32
    %dma_start3A_140 = tpu.memref_slice %arg3[%add3A_136, %dma_start3A_139] : memref<8192x2048xf32, #tpu.memory_space<hbm>> -> memref<16x2048xf32, #tpu.memory_space<hbm>>
    tpu.enqueue_dma source(%arg4 : memref<16x2048xf32, #tpu.memory_space<vmem>>) target(%dma_start3A_140 : memref<16x2048xf32, #tpu.memory_space<hbm>>) target_semaphore(%arg8 : memref<!tpu.dma_semaphore, #tpu.memory_space<semaphore_mem>>)
    %dma_wait3A_141 = arith.constant 0 : i32
    %dma_wait3A_142 = tpu.memref_slice %arg3[%add3A_136, %dma_wait3A_141] : memref<8192x2048xf32, #tpu.memory_space<hbm>> -> memref<16x2048xf32, #tpu.memory_space<hbm>>
    %dma_wait3A_143 = arith.constant 0 : i32
    %dma_wait3A_144 = tpu.memref_slice %arg3[%add3A_136, %dma_wait3A_143] : memref<8192x2048xf32, #tpu.memory_space<hbm>> -> memref<16x2048xf32, #tpu.memory_space<hbm>>
    tpu.wait_dma2 semaphore(%arg8 : memref<!tpu.dma_semaphore, #tpu.memory_space<semaphore_mem>>) src(%arg4 : memref<16x2048xf32, #tpu.memory_space<vmem>>) dst(%dma_wait3A_144 : memref<16x2048xf32, #tpu.memory_space<hbm>>)
    %add3A_145 = arith.constant 128 : i32
    %add3A_146 = arith.addi %mul3A_2, %add3A_145 : i32
    %dma_start3A_147 = arith.constant 0 : i32
    %dma_start3A_148 = tpu.memref_slice %arg2[%add3A_146, %dma_start3A_147] : memref<8192x2048xf32, #tpu.memory_space<hbm>> -> memref<16x2048xf32, #tpu.memory_space<hbm>>
    %dma_start3A_149 = arith.constant 0 : i32
    %dma_start3A_150 = tpu.memref_slice %arg2[%add3A_146, %dma_start3A_149] : memref<8192x2048xf32, #tpu.memory_space<hbm>> -> memref<16x2048xf32, #tpu.memory_space<hbm>>
    tpu.enqueue_dma source(%dma_start3A_150 : memref<16x2048xf32, #tpu.memory_space<hbm>>) target(%arg4 : memref<16x2048xf32, #tpu.memory_space<vmem>>) target_semaphore(%arg6 : memref<!tpu.dma_semaphore, #tpu.memory_space<semaphore_mem>>)
    %dma_wait3A_151 = arith.constant 0 : i32
    %dma_wait3A_152 = tpu.memref_slice %arg2[%add3A_126, %dma_wait3A_151] : memref<8192x2048xf32, #tpu.memory_space<hbm>> -> memref<16x2048xf32, #tpu.memory_space<hbm>>
    %dma_wait3A_153 = arith.constant 0 : i32
    %dma_wait3A_154 = tpu.memref_slice %arg2[%add3A_126, %dma_wait3A_153] : memref<8192x2048xf32, #tpu.memory_space<hbm>> -> memref<16x2048xf32, #tpu.memory_space<hbm>>
    tpu.wait_dma2 semaphore(%arg7 : memref<!tpu.dma_semaphore, #tpu.memory_space<semaphore_mem>>) src(%dma_wait3A_154 : memref<16x2048xf32, #tpu.memory_space<hbm>>) dst(%arg5 : memref<16x2048xf32, #tpu.memory_space<vmem>>)
    %add3A_155 = arith.constant 112 : i32
    %add3A_156 = arith.addi %mul3A_2, %add3A_155 : i32
    %dma_start3A_157 = arith.constant 0 : i32
    %dma_start3A_158 = tpu.memref_slice %arg3[%add3A_156, %dma_start3A_157] : memref<8192x2048xf32, #tpu.memory_space<hbm>> -> memref<16x2048xf32, #tpu.memory_space<hbm>>
    %dma_start3A_159 = arith.constant 0 : i32
    %dma_start3A_160 = tpu.memref_slice %arg3[%add3A_156, %dma_start3A_159] : memref<8192x2048xf32, #tpu.memory_space<hbm>> -> memref<16x2048xf32, #tpu.memory_space<hbm>>
    tpu.enqueue_dma source(%arg5 : memref<16x2048xf32, #tpu.memory_space<vmem>>) target(%dma_start3A_160 : memref<16x2048xf32, #tpu.memory_space<hbm>>) target_semaphore(%arg9 : memref<!tpu.dma_semaphore, #tpu.memory_space<semaphore_mem>>)
    %dma_wait3A_161 = arith.constant 0 : i32
    %dma_wait3A_162 = tpu.memref_slice %arg3[%add3A_156, %dma_wait3A_161] : memref<8192x2048xf32, #tpu.memory_space<hbm>> -> memref<16x2048xf32, #tpu.memory_space<hbm>>
    %dma_wait3A_163 = arith.constant 0 : i32
    %dma_wait3A_164 = tpu.memref_slice %arg3[%add3A_156, %dma_wait3A_163] : memref<8192x2048xf32, #tpu.memory_space<hbm>> -> memref<16x2048xf32, #tpu.memory_space<hbm>>
    tpu.wait_dma2 semaphore(%arg9 : memref<!tpu.dma_semaphore, #tpu.memory_space<semaphore_mem>>) src(%arg5 : memref<16x2048xf32, #tpu.memory_space<vmem>>) dst(%dma_wait3A_164 : memref<16x2048xf32, #tpu.memory_space<hbm>>)
    %add3A_165 = arith.constant 144 : i32
    %add3A_166 = arith.addi %mul3A_2, %add3A_165 : i32
    %dma_start3A_167 = arith.constant 0 : i32
    %dma_start3A_168 = tpu.memref_slice %arg2[%add3A_166, %dma_start3A_167] : memref<8192x2048xf32, #tpu.memory_space<hbm>> -> memref<16x2048xf32, #tpu.memory_space<hbm>>
    %dma_start3A_169 = arith.constant 0 : i32
    %dma_start3A_170 = tpu.memref_slice %arg2[%add3A_166, %dma_start3A_169] : memref<8192x2048xf32, #tpu.memory_space<hbm>> -> memref<16x2048xf32, #tpu.memory_space<hbm>>
    tpu.enqueue_dma source(%dma_start3A_170 : memref<16x2048xf32, #tpu.memory_space<hbm>>) target(%arg5 : memref<16x2048xf32, #tpu.memory_space<vmem>>) target_semaphore(%arg7 : memref<!tpu.dma_semaphore, #tpu.memory_space<semaphore_mem>>)
    %dma_wait3A_171 = arith.constant 0 : i32
    %dma_wait3A_172 = tpu.memref_slice %arg2[%add3A_146, %dma_wait3A_171] : memref<8192x2048xf32, #tpu.memory_space<hbm>> -> memref<16x2048xf32, #tpu.memory_space<hbm>>
    %dma_wait3A_173 = arith.constant 0 : i32
    %dma_wait3A_174 = tpu.memref_slice %arg2[%add3A_146, %dma_wait3A_173] : memref<8192x2048xf32, #tpu.memory_space<hbm>> -> memref<16x2048xf32, #tpu.memory_space<hbm>>
    tpu.wait_dma2 semaphore(%arg6 : memref<!tpu.dma_semaphore, #tpu.memory_space<semaphore_mem>>) src(%dma_wait3A_174 : memref<16x2048xf32, #tpu.memory_space<hbm>>) dst(%arg4 : memref<16x2048xf32, #tpu.memory_space<vmem>>)
    %add3A_175 = arith.constant 128 : i32
    %add3A_176 = arith.addi %mul3A_2, %add3A_175 : i32
    %dma_start3A_177 = arith.constant 0 : i32
    %dma_start3A_178 = tpu.memref_slice %arg3[%add3A_176, %dma_start3A_177] : memref<8192x2048xf32, #tpu.memory_space<hbm>> -> memref<16x2048xf32, #tpu.memory_space<hbm>>
    %dma_start3A_179 = arith.constant 0 : i32
    %dma_start3A_180 = tpu.memref_slice %arg3[%add3A_176, %dma_start3A_179] : memref<8192x2048xf32, #tpu.memory_space<hbm>> -> memref<16x2048xf32, #tpu.memory_space<hbm>>
    tpu.enqueue_dma source(%arg4 : memref<16x2048xf32, #tpu.memory_space<vmem>>) target(%dma_start3A_180 : memref<16x2048xf32, #tpu.memory_space<hbm>>) target_semaphore(%arg8 : memref<!tpu.dma_semaphore, #tpu.memory_space<semaphore_mem>>)
    %dma_wait3A_181 = arith.constant 0 : i32
    %dma_wait3A_182 = tpu.memref_slice %arg3[%add3A_176, %dma_wait3A_181] : memref<8192x2048xf32, #tpu.memory_space<hbm>> -> memref<16x2048xf32, #tpu.memory_space<hbm>>
    %dma_wait3A_183 = arith.constant 0 : i32
    %dma_wait3A_184 = tpu.memref_slice %arg3[%add3A_176, %dma_wait3A_183] : memref<8192x2048xf32, #tpu.memory_space<hbm>> -> memref<16x2048xf32, #tpu.memory_space<hbm>>
    tpu.wait_dma2 semaphore(%arg8 : memref<!tpu.dma_semaphore, #tpu.memory_space<semaphore_mem>>) src(%arg4 : memref<16x2048xf32, #tpu.memory_space<vmem>>) dst(%dma_wait3A_184 : memref<16x2048xf32, #tpu.memory_space<hbm>>)
    %add3A_185 = arith.constant 160 : i32
    %add3A_186 = arith.addi %mul3A_2, %add3A_185 : i32
    %dma_start3A_187 = arith.constant 0 : i32
    %dma_start3A_188 = tpu.memref_slice %arg2[%add3A_186, %dma_start3A_187] : memref<8192x2048xf32, #tpu.memory_space<hbm>> -> memref<16x2048xf32, #tpu.memory_space<hbm>>
    %dma_start3A_189 = arith.constant 0 : i32
    %dma_start3A_190 = tpu.memref_slice %arg2[%add3A_186, %dma_start3A_189] : memref<8192x2048xf32, #tpu.memory_space<hbm>> -> memref<16x2048xf32, #tpu.memory_space<hbm>>
    tpu.enqueue_dma source(%dma_start3A_190 : memref<16x2048xf32, #tpu.memory_space<hbm>>) target(%arg4 : memref<16x2048xf32, #tpu.memory_space<vmem>>) target_semaphore(%arg6 : memref<!tpu.dma_semaphore, #tpu.memory_space<semaphore_mem>>)
    %dma_wait3A_191 = arith.constant 0 : i32
    %dma_wait3A_192 = tpu.memref_slice %arg2[%add3A_166, %dma_wait3A_191] : memref<8192x2048xf32, #tpu.memory_space<hbm>> -> memref<16x2048xf32, #tpu.memory_space<hbm>>
    %dma_wait3A_193 = arith.constant 0 : i32
    %dma_wait3A_194 = tpu.memref_slice %arg2[%add3A_166, %dma_wait3A_193] : memref<8192x2048xf32, #tpu.memory_space<hbm>> -> memref<16x2048xf32, #tpu.memory_space<hbm>>
    tpu.wait_dma2 semaphore(%arg7 : memref<!tpu.dma_semaphore, #tpu.memory_space<semaphore_mem>>) src(%dma_wait3A_194 : memref<16x2048xf32, #tpu.memory_space<hbm>>) dst(%arg5 : memref<16x2048xf32, #tpu.memory_space<vmem>>)
    %add3A_195 = arith.constant 144 : i32
    %add3A_196 = arith.addi %mul3A_2, %add3A_195 : i32
    %dma_start3A_197 = arith.constant 0 : i32
    %dma_start3A_198 = tpu.memref_slice %arg3[%add3A_196, %dma_start3A_197] : memref<8192x2048xf32, #tpu.memory_space<hbm>> -> memref<16x2048xf32, #tpu.memory_space<hbm>>
    %dma_start3A_199 = arith.constant 0 : i32
    %dma_start3A_200 = tpu.memref_slice %arg3[%add3A_196, %dma_start3A_199] : memref<8192x2048xf32, #tpu.memory_space<hbm>> -> memref<16x2048xf32, #tpu.memory_space<hbm>>
    tpu.enqueue_dma source(%arg5 : memref<16x2048xf32, #tpu.memory_space<vmem>>) target(%dma_start3A_200 : memref<16x2048xf32, #tpu.memory_space<hbm>>) target_semaphore(%arg9 : memref<!tpu.dma_semaphore, #tpu.memory_space<semaphore_mem>>)
    %dma_wait3A_201 = arith.constant 0 : i32
    %dma_wait3A_202 = tpu.memref_slice %arg3[%add3A_196, %dma_wait3A_201] : memref<8192x2048xf32, #tpu.memory_space<hbm>> -> memref<16x2048xf32, #tpu.memory_space<hbm>>
    %dma_wait3A_203 = arith.constant 0 : i32
    %dma_wait3A_204 = tpu.memref_slice %arg3[%add3A_196, %dma_wait3A_203] : memref<8192x2048xf32, #tpu.memory_space<hbm>> -> memref<16x2048xf32, #tpu.memory_space<hbm>>
    tpu.wait_dma2 semaphore(%arg9 : memref<!tpu.dma_semaphore, #tpu.memory_space<semaphore_mem>>) src(%arg5 : memref<16x2048xf32, #tpu.memory_space<vmem>>) dst(%dma_wait3A_204 : memref<16x2048xf32, #tpu.memory_space<hbm>>)
    %add3A_205 = arith.constant 176 : i32
    %add3A_206 = arith.addi %mul3A_2, %add3A_205 : i32
    %dma_start3A_207 = arith.constant 0 : i32
    %dma_start3A_208 = tpu.memref_slice %arg2[%add3A_206, %dma_start3A_207] : memref<8192x2048xf32, #tpu.memory_space<hbm>> -> memref<16x2048xf32, #tpu.memory_space<hbm>>
    %dma_start3A_209 = arith.constant 0 : i32
    %dma_start3A_210 = tpu.memref_slice %arg2[%add3A_206, %dma_start3A_209] : memref<8192x2048xf32, #tpu.memory_space<hbm>> -> memref<16x2048xf32, #tpu.memory_space<hbm>>
    tpu.enqueue_dma source(%dma_start3A_210 : memref<16x2048xf32, #tpu.memory_space<hbm>>) target(%arg5 : memref<16x2048xf32, #tpu.memory_space<vmem>>) target_semaphore(%arg7 : memref<!tpu.dma_semaphore, #tpu.memory_space<semaphore_mem>>)
    %dma_wait3A_211 = arith.constant 0 : i32
    %dma_wait3A_212 = tpu.memref_slice %arg2[%add3A_186, %dma_wait3A_211] : memref<8192x2048xf32, #tpu.memory_space<hbm>> -> memref<16x2048xf32, #tpu.memory_space<hbm>>
    %dma_wait3A_213 = arith.constant 0 : i32
    %dma_wait3A_214 = tpu.memref_slice %arg2[%add3A_186, %dma_wait3A_213] : memref<8192x2048xf32, #tpu.memory_space<hbm>> -> memref<16x2048xf32, #tpu.memory_space<hbm>>
    tpu.wait_dma2 semaphore(%arg6 : memref<!tpu.dma_semaphore, #tpu.memory_space<semaphore_mem>>) src(%dma_wait3A_214 : memref<16x2048xf32, #tpu.memory_space<hbm>>) dst(%arg4 : memref<16x2048xf32, #tpu.memory_space<vmem>>)
    %add3A_215 = arith.constant 160 : i32
    %add3A_216 = arith.addi %mul3A_2, %add3A_215 : i32
    %dma_start3A_217 = arith.constant 0 : i32
    %dma_start3A_218 = tpu.memref_slice %arg3[%add3A_216, %dma_start3A_217] : memref<8192x2048xf32, #tpu.memory_space<hbm>> -> memref<16x2048xf32, #tpu.memory_space<hbm>>
    %dma_start3A_219 = arith.constant 0 : i32
    %dma_start3A_220 = tpu.memref_slice %arg3[%add3A_216, %dma_start3A_219] : memref<8192x2048xf32, #tpu.memory_space<hbm>> -> memref<16x2048xf32, #tpu.memory_space<hbm>>
    tpu.enqueue_dma source(%arg4 : memref<16x2048xf32, #tpu.memory_space<vmem>>) target(%dma_start3A_220 : memref<16x2048xf32, #tpu.memory_space<hbm>>) target_semaphore(%arg8 : memref<!tpu.dma_semaphore, #tpu.memory_space<semaphore_mem>>)
    %dma_wait3A_221 = arith.constant 0 : i32
    %dma_wait3A_222 = tpu.memref_slice %arg3[%add3A_216, %dma_wait3A_221] : memref<8192x2048xf32, #tpu.memory_space<hbm>> -> memref<16x2048xf32, #tpu.memory_space<hbm>>
    %dma_wait3A_223 = arith.constant 0 : i32
    %dma_wait3A_224 = tpu.memref_slice %arg3[%add3A_216, %dma_wait3A_223] : memref<8192x2048xf32, #tpu.memory_space<hbm>> -> memref<16x2048xf32, #tpu.memory_space<hbm>>
    tpu.wait_dma2 semaphore(%arg8 : memref<!tpu.dma_semaphore, #tpu.memory_space<semaphore_mem>>) src(%arg4 : memref<16x2048xf32, #tpu.memory_space<vmem>>) dst(%dma_wait3A_224 : memref<16x2048xf32, #tpu.memory_space<hbm>>)
    %add3A_225 = arith.constant 192 : i32
    %add3A_226 = arith.addi %mul3A_2, %add3A_225 : i32
    %dma_start3A_227 = arith.constant 0 : i32
    %dma_start3A_228 = tpu.memref_slice %arg2[%add3A_226, %dma_start3A_227] : memref<8192x2048xf32, #tpu.memory_space<hbm>> -> memref<16x2048xf32, #tpu.memory_space<hbm>>
    %dma_start3A_229 = arith.constant 0 : i32
    %dma_start3A_230 = tpu.memref_slice %arg2[%add3A_226, %dma_start3A_229] : memref<8192x2048xf32, #tpu.memory_space<hbm>> -> memref<16x2048xf32, #tpu.memory_space<hbm>>
    tpu.enqueue_dma source(%dma_start3A_230 : memref<16x2048xf32, #tpu.memory_space<hbm>>) target(%arg4 : memref<16x2048xf32, #tpu.memory_space<vmem>>) target_semaphore(%arg6 : memref<!tpu.dma_semaphore, #tpu.memory_space<semaphore_mem>>)
    %dma_wait3A_231 = arith.constant 0 : i32
    %dma_wait3A_232 = tpu.memref_slice %arg2[%add3A_206, %dma_wait3A_231] : memref<8192x2048xf32, #tpu.memory_space<hbm>> -> memref<16x2048xf32, #tpu.memory_space<hbm>>
    %dma_wait3A_233 = arith.constant 0 : i32
    %dma_wait3A_234 = tpu.memref_slice %arg2[%add3A_206, %dma_wait3A_233] : memref<8192x2048xf32, #tpu.memory_space<hbm>> -> memref<16x2048xf32, #tpu.memory_space<hbm>>
    tpu.wait_dma2 semaphore(%arg7 : memref<!tpu.dma_semaphore, #tpu.memory_space<semaphore_mem>>) src(%dma_wait3A_234 : memref<16x2048xf32, #tpu.memory_space<hbm>>) dst(%arg5 : memref<16x2048xf32, #tpu.memory_space<vmem>>)
    %add3A_235 = arith.constant 176 : i32
    %add3A_236 = arith.addi %mul3A_2, %add3A_235 : i32
    %dma_start3A_237 = arith.constant 0 : i32
    %dma_start3A_238 = tpu.memref_slice %arg3[%add3A_236, %dma_start3A_237] : memref<8192x2048xf32, #tpu.memory_space<hbm>> -> memref<16x2048xf32, #tpu.memory_space<hbm>>
    %dma_start3A_239 = arith.constant 0 : i32
    %dma_start3A_240 = tpu.memref_slice %arg3[%add3A_236, %dma_start3A_239] : memref<8192x2048xf32, #tpu.memory_space<hbm>> -> memref<16x2048xf32, #tpu.memory_space<hbm>>
    tpu.enqueue_dma source(%arg5 : memref<16x2048xf32, #tpu.memory_space<vmem>>) target(%dma_start3A_240 : memref<16x2048xf32, #tpu.memory_space<hbm>>) target_semaphore(%arg9 : memref<!tpu.dma_semaphore, #tpu.memory_space<semaphore_mem>>)
    %dma_wait3A_241 = arith.constant 0 : i32
    %dma_wait3A_242 = tpu.memref_slice %arg3[%add3A_236, %dma_wait3A_241] : memref<8192x2048xf32, #tpu.memory_space<hbm>> -> memref<16x2048xf32, #tpu.memory_space<hbm>>
    %dma_wait3A_243 = arith.constant 0 : i32
    %dma_wait3A_244 = tpu.memref_slice %arg3[%add3A_236, %dma_wait3A_243] : memref<8192x2048xf32, #tpu.memory_space<hbm>> -> memref<16x2048xf32, #tpu.memory_space<hbm>>
    tpu.wait_dma2 semaphore(%arg9 : memref<!tpu.dma_semaphore, #tpu.memory_space<semaphore_mem>>) src(%arg5 : memref<16x2048xf32, #tpu.memory_space<vmem>>) dst(%dma_wait3A_244 : memref<16x2048xf32, #tpu.memory_space<hbm>>)
    %add3A_245 = arith.constant 208 : i32
    %add3A_246 = arith.addi %mul3A_2, %add3A_245 : i32
    %dma_start3A_247 = arith.constant 0 : i32
    %dma_start3A_248 = tpu.memref_slice %arg2[%add3A_246, %dma_start3A_247] : memref<8192x2048xf32, #tpu.memory_space<hbm>> -> memref<16x2048xf32, #tpu.memory_space<hbm>>
    %dma_start3A_249 = arith.constant 0 : i32
    %dma_start3A_250 = tpu.memref_slice %arg2[%add3A_246, %dma_start3A_249] : memref<8192x2048xf32, #tpu.memory_space<hbm>> -> memref<16x2048xf32, #tpu.memory_space<hbm>>
    tpu.enqueue_dma source(%dma_start3A_250 : memref<16x2048xf32, #tpu.memory_space<hbm>>) target(%arg5 : memref<16x2048xf32, #tpu.memory_space<vmem>>) target_semaphore(%arg7 : memref<!tpu.dma_semaphore, #tpu.memory_space<semaphore_mem>>)
    %dma_wait3A_251 = arith.constant 0 : i32
    %dma_wait3A_252 = tpu.memref_slice %arg2[%add3A_226, %dma_wait3A_251] : memref<8192x2048xf32, #tpu.memory_space<hbm>> -> memref<16x2048xf32, #tpu.memory_space<hbm>>
    %dma_wait3A_253 = arith.constant 0 : i32
    %dma_wait3A_254 = tpu.memref_slice %arg2[%add3A_226, %dma_wait3A_253] : memref<8192x2048xf32, #tpu.memory_space<hbm>> -> memref<16x2048xf32, #tpu.memory_space<hbm>>
    tpu.wait_dma2 semaphore(%arg6 : memref<!tpu.dma_semaphore, #tpu.memory_space<semaphore_mem>>) src(%dma_wait3A_254 : memref<16x2048xf32, #tpu.memory_space<hbm>>) dst(%arg4 : memref<16x2048xf32, #tpu.memory_space<vmem>>)
    %add3A_255 = arith.constant 192 : i32
    %add3A_256 = arith.addi %mul3A_2, %add3A_255 : i32
    %dma_start3A_257 = arith.constant 0 : i32
    %dma_start3A_258 = tpu.memref_slice %arg3[%add3A_256, %dma_start3A_257] : memref<8192x2048xf32, #tpu.memory_space<hbm>> -> memref<16x2048xf32, #tpu.memory_space<hbm>>
    %dma_start3A_259 = arith.constant 0 : i32
    %dma_start3A_260 = tpu.memref_slice %arg3[%add3A_256, %dma_start3A_259] : memref<8192x2048xf32, #tpu.memory_space<hbm>> -> memref<16x2048xf32, #tpu.memory_space<hbm>>
    tpu.enqueue_dma source(%arg4 : memref<16x2048xf32, #tpu.memory_space<vmem>>) target(%dma_start3A_260 : memref<16x2048xf32, #tpu.memory_space<hbm>>) target_semaphore(%arg8 : memref<!tpu.dma_semaphore, #tpu.memory_space<semaphore_mem>>)
    %dma_wait3A_261 = arith.constant 0 : i32
    %dma_wait3A_262 = tpu.memref_slice %arg3[%add3A_256, %dma_wait3A_261] : memref<8192x2048xf32, #tpu.memory_space<hbm>> -> memref<16x2048xf32, #tpu.memory_space<hbm>>
    %dma_wait3A_263 = arith.constant 0 : i32
    %dma_wait3A_264 = tpu.memref_slice %arg3[%add3A_256, %dma_wait3A_263] : memref<8192x2048xf32, #tpu.memory_space<hbm>> -> memref<16x2048xf32, #tpu.memory_space<hbm>>
    tpu.wait_dma2 semaphore(%arg8 : memref<!tpu.dma_semaphore, #tpu.memory_space<semaphore_mem>>) src(%arg4 : memref<16x2048xf32, #tpu.memory_space<vmem>>) dst(%dma_wait3A_264 : memref<16x2048xf32, #tpu.memory_space<hbm>>)
    %add3A_265 = arith.constant 224 : i32
    %add3A_266 = arith.addi %mul3A_2, %add3A_265 : i32
    %dma_start3A_267 = arith.constant 0 : i32
    %dma_start3A_268 = tpu.memref_slice %arg2[%add3A_266, %dma_start3A_267] : memref<8192x2048xf32, #tpu.memory_space<hbm>> -> memref<16x2048xf32, #tpu.memory_space<hbm>>
    %dma_start3A_269 = arith.constant 0 : i32
    %dma_start3A_270 = tpu.memref_slice %arg2[%add3A_266, %dma_start3A_269] : memref<8192x2048xf32, #tpu.memory_space<hbm>> -> memref<16x2048xf32, #tpu.memory_space<hbm>>
    tpu.enqueue_dma source(%dma_start3A_270 : memref<16x2048xf32, #tpu.memory_space<hbm>>) target(%arg4 : memref<16x2048xf32, #tpu.memory_space<vmem>>) target_semaphore(%arg6 : memref<!tpu.dma_semaphore, #tpu.memory_space<semaphore_mem>>)
    %dma_wait3A_271 = arith.constant 0 : i32
    %dma_wait3A_272 = tpu.memref_slice %arg2[%add3A_246, %dma_wait3A_271] : memref<8192x2048xf32, #tpu.memory_space<hbm>> -> memref<16x2048xf32, #tpu.memory_space<hbm>>
    %dma_wait3A_273 = arith.constant 0 : i32
    %dma_wait3A_274 = tpu.memref_slice %arg2[%add3A_246, %dma_wait3A_273] : memref<8192x2048xf32, #tpu.memory_space<hbm>> -> memref<16x2048xf32, #tpu.memory_space<hbm>>
    tpu.wait_dma2 semaphore(%arg7 : memref<!tpu.dma_semaphore, #tpu.memory_space<semaphore_mem>>) src(%dma_wait3A_274 : memref<16x2048xf32, #tpu.memory_space<hbm>>) dst(%arg5 : memref<16x2048xf32, #tpu.memory_space<vmem>>)
    %add3A_275 = arith.constant 208 : i32
    %add3A_276 = arith.addi %mul3A_2, %add3A_275 : i32
    %dma_start3A_277 = arith.constant 0 : i32
    %dma_start3A_278 = tpu.memref_slice %arg3[%add3A_276, %dma_start3A_277] : memref<8192x2048xf32, #tpu.memory_space<hbm>> -> memref<16x2048xf32, #tpu.memory_space<hbm>>
    %dma_start3A_279 = arith.constant 0 : i32
    %dma_start3A_280 = tpu.memref_slice %arg3[%add3A_276, %dma_start3A_279] : memref<8192x2048xf32, #tpu.memory_space<hbm>> -> memref<16x2048xf32, #tpu.memory_space<hbm>>
    tpu.enqueue_dma source(%arg5 : memref<16x2048xf32, #tpu.memory_space<vmem>>) target(%dma_start3A_280 : memref<16x2048xf32, #tpu.memory_space<hbm>>) target_semaphore(%arg9 : memref<!tpu.dma_semaphore, #tpu.memory_space<semaphore_mem>>)
    %dma_wait3A_281 = arith.constant 0 : i32
    %dma_wait3A_282 = tpu.memref_slice %arg3[%add3A_276, %dma_wait3A_281] : memref<8192x2048xf32, #tpu.memory_space<hbm>> -> memref<16x2048xf32, #tpu.memory_space<hbm>>
    %dma_wait3A_283 = arith.constant 0 : i32
    %dma_wait3A_284 = tpu.memref_slice %arg3[%add3A_276, %dma_wait3A_283] : memref<8192x2048xf32, #tpu.memory_space<hbm>> -> memref<16x2048xf32, #tpu.memory_space<hbm>>
    tpu.wait_dma2 semaphore(%arg9 : memref<!tpu.dma_semaphore, #tpu.memory_space<semaphore_mem>>) src(%arg5 : memref<16x2048xf32, #tpu.memory_space<vmem>>) dst(%dma_wait3A_284 : memref<16x2048xf32, #tpu.memory_space<hbm>>)
    %add3A_285 = arith.constant 240 : i32
    %add3A_286 = arith.addi %mul3A_2, %add3A_285 : i32
    %dma_start3A_287 = arith.constant 0 : i32
    %dma_start3A_288 = tpu.memref_slice %arg2[%add3A_286, %dma_start3A_287] : memref<8192x2048xf32, #tpu.memory_space<hbm>> -> memref<16x2048xf32, #tpu.memory_space<hbm>>
    %dma_start3A_289 = arith.constant 0 : i32
    %dma_start3A_290 = tpu.memref_slice %arg2[%add3A_286, %dma_start3A_289] : memref<8192x2048xf32, #tpu.memory_space<hbm>> -> memref<16x2048xf32, #tpu.memory_space<hbm>>
    tpu.enqueue_dma source(%dma_start3A_290 : memref<16x2048xf32, #tpu.memory_space<hbm>>) target(%arg5 : memref<16x2048xf32, #tpu.memory_space<vmem>>) target_semaphore(%arg7 : memref<!tpu.dma_semaphore, #tpu.memory_space<semaphore_mem>>)
    %dma_wait3A_291 = arith.constant 0 : i32
    %dma_wait3A_292 = tpu.memref_slice %arg2[%add3A_266, %dma_wait3A_291] : memref<8192x2048xf32, #tpu.memory_space<hbm>> -> memref<16x2048xf32, #tpu.memory_space<hbm>>
    %dma_wait3A_293 = arith.constant 0 : i32
    %dma_wait3A_294 = tpu.memref_slice %arg2[%add3A_266, %dma_wait3A_293] : memref<8192x2048xf32, #tpu.memory_space<hbm>> -> memref<16x2048xf32, #tpu.memory_space<hbm>>
    tpu.wait_dma2 semaphore(%arg6 : memref<!tpu.dma_semaphore, #tpu.memory_space<semaphore_mem>>) src(%dma_wait3A_294 : memref<16x2048xf32, #tpu.memory_space<hbm>>) dst(%arg4 : memref<16x2048xf32, #tpu.memory_space<vmem>>)
    %add3A_295 = arith.constant 224 : i32
    %add3A_296 = arith.addi %mul3A_2, %add3A_295 : i32
    %dma_start3A_297 = arith.constant 0 : i32
    %dma_start3A_298 = tpu.memref_slice %arg3[%add3A_296, %dma_start3A_297] : memref<8192x2048xf32, #tpu.memory_space<hbm>> -> memref<16x2048xf32, #tpu.memory_space<hbm>>
    %dma_start3A_299 = arith.constant 0 : i32
    %dma_start3A_300 = tpu.memref_slice %arg3[%add3A_296, %dma_start3A_299] : memref<8192x2048xf32, #tpu.memory_space<hbm>> -> memref<16x2048xf32, #tpu.memory_space<hbm>>
    tpu.enqueue_dma source(%arg4 : memref<16x2048xf32, #tpu.memory_space<vmem>>) target(%dma_start3A_300 : memref<16x2048xf32, #tpu.memory_space<hbm>>) target_semaphore(%arg8 : memref<!tpu.dma_semaphore, #tpu.memory_space<semaphore_mem>>)
    %dma_wait3A_301 = arith.constant 0 : i32
    %dma_wait3A_302 = tpu.memref_slice %arg2[%add3A_286, %dma_wait3A_301] : memref<8192x2048xf32, #tpu.memory_space<hbm>> -> memref<16x2048xf32, #tpu.memory_space<hbm>>
    %dma_wait3A_303 = arith.constant 0 : i32
    %dma_wait3A_304 = tpu.memref_slice %arg2[%add3A_286, %dma_wait3A_303] : memref<8192x2048xf32, #tpu.memory_space<hbm>> -> memref<16x2048xf32, #tpu.memory_space<hbm>>
    tpu.wait_dma2 semaphore(%arg7 : memref<!tpu.dma_semaphore, #tpu.memory_space<semaphore_mem>>) src(%dma_wait3A_304 : memref<16x2048xf32, #tpu.memory_space<hbm>>) dst(%arg5 : memref<16x2048xf32, #tpu.memory_space<vmem>>)
    %add3A_305 = arith.constant 240 : i32
    %add3A_306 = arith.addi %mul3A_2, %add3A_305 : i32
    %dma_start3A_307 = arith.constant 0 : i32
    %dma_start3A_308 = tpu.memref_slice %arg3[%add3A_306, %dma_start3A_307] : memref<8192x2048xf32, #tpu.memory_space<hbm>> -> memref<16x2048xf32, #tpu.memory_space<hbm>>
    %dma_start3A_309 = arith.constant 0 : i32
    %dma_start3A_310 = tpu.memref_slice %arg3[%add3A_306, %dma_start3A_309] : memref<8192x2048xf32, #tpu.memory_space<hbm>> -> memref<16x2048xf32, #tpu.memory_space<hbm>>
    tpu.enqueue_dma source(%arg5 : memref<16x2048xf32, #tpu.memory_space<vmem>>) target(%dma_start3A_310 : memref<16x2048xf32, #tpu.memory_space<hbm>>) target_semaphore(%arg9 : memref<!tpu.dma_semaphore, #tpu.memory_space<semaphore_mem>>)
    %dma_wait3A_311 = arith.constant 0 : i32
    %dma_wait3A_312 = tpu.memref_slice %arg3[%add3A_296, %dma_wait3A_311] : memref<8192x2048xf32, #tpu.memory_space<hbm>> -> memref<16x2048xf32, #tpu.memory_space<hbm>>
    %dma_wait3A_313 = arith.constant 0 : i32
    %dma_wait3A_314 = tpu.memref_slice %arg3[%add3A_296, %dma_wait3A_313] : memref<8192x2048xf32, #tpu.memory_space<hbm>> -> memref<16x2048xf32, #tpu.memory_space<hbm>>
    tpu.wait_dma2 semaphore(%arg8 : memref<!tpu.dma_semaphore, #tpu.memory_space<semaphore_mem>>) src(%arg4 : memref<16x2048xf32, #tpu.memory_space<vmem>>) dst(%dma_wait3A_314 : memref<16x2048xf32, #tpu.memory_space<hbm>>)
    %dma_wait3A_315 = arith.constant 0 : i32
    %dma_wait3A_316 = tpu.memref_slice %arg3[%add3A_306, %dma_wait3A_315] : memref<8192x2048xf32, #tpu.memory_space<hbm>> -> memref<16x2048xf32, #tpu.memory_space<hbm>>
    %dma_wait3A_317 = arith.constant 0 : i32
    %dma_wait3A_318 = tpu.memref_slice %arg3[%add3A_306, %dma_wait3A_317] : memref<8192x2048xf32, #tpu.memory_space<hbm>> -> memref<16x2048xf32, #tpu.memory_space<hbm>>
    tpu.wait_dma2 semaphore(%arg9 : memref<!tpu.dma_semaphore, #tpu.memory_space<semaphore_mem>>) src(%arg5 : memref<16x2048xf32, #tpu.memory_space<vmem>>) dst(%dma_wait3A_318 : memref<16x2048xf32, #tpu.memory_space<hbm>>)
    return
  }
}

</mosaic_0001>

<sc_bundles>
// kernel: kernel.3.cloned.1.call-start
scs
__scs_entry_jumppad:
0x0: {  	(pc) =	sbr.rel $0x88, $3  }
0x1: {  	(tag) =	ssettag $0x0;
	lr =	simm.s32 $0x1  }
0x2: {  	[smem:$0x3FA0] =	sst lr;
	_ =	strace $0xD0000000  }
0x3: {  	_ = 	snop  }
0x4: {  	_ = 	snop  }
0x5: {  	_ = 	snop  }
0x6: {  	_ = 	snop  }
0x7: {  	_ = 	snop  }
__scs_overlays_trampoline_lowered:
0x8: {  	[smem:$0x3FAF] =	sst s0  }
0x9: {  	[smem:$0x3FB0] =	sst s1  }
0xa: {  	[smem:$0x3FB1] =	sst s2  }
0xb: {  	[smem:$0x3FB2] =	sst s3  }
0xc: {  	[smem:$0x3FB3] =	sst s4  }
0xd: {  	[smem:$0x3FB4] =	sst s5  }
0xe: {  	[smem:$0x3FB5] =	sst s6  }
0xf: {  	[smem:$0x3FB6] =	sst s7  }
0x10: {  	[smem:$0x3FB7] =	sst s8  }
0x11: {  	[smem:$0x3FB8] =	sst s9;
	s0 =	simm.s32 @!p0 $0x0  }
0x12: {  	s1 =	sld [smem:$0x3F9E];
	s0 =	simm.s32 @p0 $0x1  }
0x13: {  	[smem:$0x3FB9] =	sst s0;
	s0 =	simm.s32 @!p1 $0x0  }
0x14: {  	s2 =	sld [smem:$0x3F9D];
	s0 =	simm.s32 @p1 $0x1  }
0x15: {  	[smem:$0x3FBA] =	sst s0;
	s0 =	simm.s32 @!p2 $0x0  }
0x16: {  	s3 =	sld [smem:$0x3FDB];
	s0 =	simm.s32 @p2 $0x1  }
0x17: {  	s4 =	simm.s32 $0x1BF5;
	[smem:$0x3FBC] =	sst s0  }
0x18: {  	s0 =	sld [smem:$0x3F9F];
	_ =	swait.ge [sflag:s4], $0x0  }
0x19: {  	s7 =	sld [smem:$0x3FA0]  }
0x1a: {  	s8 =	sadd.s32 $0xFFFFE003, lr  }
0x1b: {  	s9 =	sadd.s32 $0xFFFFFEF7, lr;
	s5 =	simm.s32 $0xFFFFFFFF;
	p2 =	slt.u32 s8, $0xFFFFF086  }
0x1c: {  	p1 =	slt.u32 s9, $0xF7A;
	s5 =	simm.s32 @!p2 $0x0  }
0x1d: {  	s5 =	simm.s32 @p1 $0x1;
	p0 =	seq.s32 s7, s2  }
0x1e: {  	s7 =	smul.u32 @!p0 $0xF7A, s2;
	p2 =	seq.s32 @!p0 s5, $0x0  }
0x1f: {  	s9 =	smul.u32 $0xF7A, s1;
	s8 =	simm.s32 @!p0 $0x1BF5;
	p2 =	por !p2, p0  }
0x20: {  	[sflag:s8] =	ssyncset.s32 @!p0 $0xFFFFF086;
	s6 =	sadd.s32 @!p0 s3, s7;
	s7 =	simm.s32 @!p0 $0x108  }
0x21: {  	s3 =	sadd.s32 s3, s9;
	s6 =	sadd.s32 @!p0 $0x88, s6;
	s7 =	simm.s32 @p2 $0x1082  }
0x22: {  	[simem:s7], [sflag:s8] =	dma.local @!p0 [hbm:s6], $0xF7A  }
0x23: {  	s9 =	sor.u32 $0xD0000000, s2;
	s6 =	simm.s32 $0x108;
	_ =	swait.ge @!p0 [sflag:s8], $0x0  }
0x24: {  	s3 =	sadd.s32 $0x88, s3;
	s6 =	simm.s32 @!p1 $0x1082;
	[sflag:s4] =	ssyncset.s32 $0xFFFFF086  }
0x25: {  	[simem:s6], [sflag:s4] =	dma.local [hbm:s3], $0xF7A  }
0x26: {  	[smem:$0x3FA0] =	sst s1;
	(tag) =	ssettag s2;
	_ =	strace s9  }
0x27: {  	s1 =	sld [smem:$0x3FB0]  }
0x28: {  	s2 =	sld [smem:$0x3FB1]  }
0x29: {  	s4 =	sld [smem:$0x3FB3]  }
0x2a: {  	p0 =	seq.s32 s5, $0x0;
	s5 =	sld [smem:$0x3FB4]  }
0x2b: {  	s6 =	sld [smem:$0x3FB5]  }
0x2c: {  	s7 =	sld [smem:$0x3FB6]  }
0x2d: {  	s3 =	simm.s32 $0x108;
	s8 =	sld [smem:$0x3FB7]  }
0x2e: {  	s3 =	simm.s32 @!p0 $0x1082;
	s9 =	sld [smem:$0x3FB8]  }
0x2f: {  	lr =	sadd.s32 s0, s3;
	s0 =	sld [smem:$0x3FAF]  }
0x30: {  	s3 =	sld [smem:$0x3FB2]  }
0x31: {  	[smem:$0x3FBB] =	sst s10  }
0x32: {  	s10 =	sld [smem:$0x3FB9];
	_ =	sdelay $0x3  }
0x33: {  	p0 =	seq.s32 s10, $0x1;
	s10 =	sld [smem:$0x3FBB];
	_ =	sdelay $0x3  }
0x34: {  	[smem:$0x3FBB] =	sst s10  }
0x35: {  	s10 =	sld [smem:$0x3FBA];
	_ =	sdelay $0x3  }
0x36: {  	p1 =	seq.s32 s10, $0x1;
	s10 =	sld [smem:$0x3FBB];
	_ =	sdelay $0x3  }
0x37: {  	[smem:$0x3FBB] =	sst s10  }
0x38: {  	s10 =	sld [smem:$0x3FBC]  }
0x39: {  	_ = 	snop;
	(pc) =	sbr.ind lr, $3  }
0x3a: {  	_ = 	snop  }
0x3b: {  	_ = 	snop  }
0x3c: {  	p2 =	seq.s32 s10, $0x1;
	s10 =	sld [smem:$0x3FBB]  }
0x3d: {  	_ =	shalt  }
0x3e: {  	_ =	shalt  }
0x3f: {  	_ =	shalt  }
0x40: {  	_ =	shalt  }
0x41: {  	_ =	shalt  }
0x42: {  	_ =	shalt  }
0x43: {  	_ =	shalt  }
0x44: {  	_ =	shalt  }
0x45: {  	_ =	shalt  }
0x46: {  	_ =	shalt  }
0x47: {  	_ =	shalt  }
0x48: {  	_ =	shalt  }
0x49: {  	_ =	shalt  }
0x4a: {  	_ =	shalt  }
0x4b: {  	_ =	shalt  }
0x4c: {  	_ =	shalt  }
0x4d: {  	_ =	shalt  }
0x4e: {  	_ =	shalt  }
0x4f: {  	_ =	shalt  }
0x50: {  	_ =	shalt  }
0x51: {  	_ =	shalt  }
0x52: {  	_ =	shalt  }
0x53: {  	_ =	shalt  }
0x54: {  	_ =	shalt  }
0x55: {  	_ =	shalt  }
0x56: {  	_ =	shalt  }
0x57: {  	_ =	shalt  }
0x58: {  	_ =	shalt  }
0x59: {  	_ =	shalt  }
0x5a: {  	_ =	shalt  }
0x5b: {  	_ =	shalt  }
0x5c: {  	_ =	shalt  }
0x5d: {  	_ =	shalt  }
0x5e: {  	_ =	shalt  }
0x5f: {  	_ =	shalt  }
0x60: {  	_ =	shalt  }
0x61: {  	_ =	shalt  }
0x62: {  	_ =	shalt  }
0x63: {  	_ =	shalt  }
0x64: {  	_ =	shalt  }
0x65: {  	_ =	shalt  }
0x66: {  	_ =	shalt  }
0x67: {  	_ =	shalt  }
0x68: {  	_ =	shalt  }
0x69: {  	_ =	shalt  }
0x6a: {  	_ =	shalt  }
0x6b: {  	_ =	shalt  }
0x6c: {  	_ =	shalt  }
0x6d: {  	_ =	shalt  }
0x6e: {  	_ =	shalt  }
0x6f: {  	_ =	shalt  }
0x70: {  	_ =	shalt  }
0x71: {  	_ =	shalt  }
0x72: {  	_ =	shalt  }
0x73: {  	_ =	shalt  }
0x74: {  	_ =	shalt  }
0x75: {  	_ =	shalt  }
0x76: {  	_ =	shalt  }
0x77: {  	_ =	shalt  }
0x78: {  	_ =	shalt  }
0x79: {  	_ =	shalt  }
0x7a: {  	_ =	shalt  }
0x7b: {  	_ =	shalt  }
0x7c: {  	_ =	shalt  }
0x7d: {  	_ =	shalt  }
0x7e: {  	_ =	shalt  }
0x7f: {  	_ =	shalt  }
0x80: {  	_ =	shalt  }
0x81: {  	_ =	shalt  }
0x82: {  	_ =	shalt  }
0x83: {  	_ =	shalt  }
0x84: {  	_ =	shalt  }
0x85: {  	_ =	shalt  }
0x86: {  	_ =	shalt  }
0x87: {  	_ =	shalt  }
.Lfunc_end0:
.L_simem_size_0:
called_computation_lowered:
.L_overlay_start_0:
0x88: {  	s2 =	sld [smem:$0x3FD9]  }
0x89: {  	s3 =	sld [smem:$0x3FFE];
	_ =	sdelay $0x1  }
0x8a: {  	s1 =	srdreg.scid  }
0x8b: {  	s0 =	sand.u32 $0x1, s1  }
0x8c: {  	s18 =	sshll.u32 s0, $0xA;
	s2 =	sadd.s32 s3, s2  }
0x8d: {  	s2 =	sadd.s32 s2, s18  }
0x8e: {  	[smem:$0x3FC7] =	sst s2  }
0x8f: {  	_ = 	snop  }
0x90: {  	s2 =	sld [smem:$0x3FC9]  }
0x91: {  	s19 =	sld [smem:$0x3FD0];
	(tm) =	ssettm $0x1  }
0x92: {  	s4 =	sld [smem:$0x3FFB];
	_ =	sdelay $0x3  }
0x93: {  	_ =	strace s4  }
0x94: {  	s4 =	sld [smem:$0x3FFC];
	_ =	sdelay $0x3  }
0x95: {  	_ =	strace s4  }
0x96: {  	s4 =	sld [smem:$0x3FFD];
	_ =	sdelay $0x3  }
0x97: {  	_ =	strace s4  }
0x98: {  	_ =	strace $0x8FFFFFFF  }
0x99: {  	s20 =	sld [smem:$0x3FDB];
	_ =	sdelay $0x1  }
0x9a: {  	s5 =	simm.s32 $_scs_section_size  }
0x9b: {  	s6 =	simm.s32 $_size__tile_overlayer_lowered;
	s7 =	simm.s32 $_tile_overlayer_lowered  }
0x9c: {  	s23 =	simm.s32 $0x1BFF;
	s22 =	sshll.u32 s7, $0x1;
	s4 =	sadd.s32 s5, s20  }
0x9d: {  	s8 =	simm.s32 $0x0;
	s21 =	sshll.u32 s6, $0x1;
	s6 =	sadd.s32 s22, s4  }
0x9e: {  	[timem:s8], [sflag:s23] =	dma.local [hbm:s6], s21  }
0x9f: {  	_ =	swait.ge [sflag:s23], s21  }
0xa0: {  	s5 =	ssub.s32 $0x0, s21;
	[sflag:s23] =	ssyncset.done $0x0  }
0xa1: {  	[sflag:s23] =	ssyncadd.s32 s5;
	_ =	sdelay $0x1  }
0xa2: {  	s24 =	simm.s32 $0x1B8B  }
0xa3: {  	_ =	swait.ge [sflag:s24], $0x1  }
0xa4: {  	[sflag:s24] =	ssyncset.done $0x0  }
0xa5: {  	s25 =	simm.s32 $0x1B8E;
	[sflag:s24] =	ssyncadd.s32 $0xFFFFFFFF  }
0xa6: {  	s26 =	simm.s32 $execute0_lowered;
	[smem:$0x3FD2] =	sst s25  }
0xa7: {  	s5 =	sshll.u32 s26, $0x1;
	_ =	strace $0x80000046;
	[dreg:$0x1] =	wrdreg $0xFFFFFFFF  }
0xa8: {  	s28 =	simm.s32 $_size_execute0_lowered;
	s4 =	sadd.s32 s4, s5;
	[dreg:$0x0] =	wrdreg $0x0  }
0xa9: {  	s5 =	sshll.u32 s28, $0x1;
	[dreg:$0x2] =	wrdreg s4  }
0xaa: {  	[dreg:$0x3] =	wrdreg s5  }
0xab: {  	[dreg:$0x4] =	wrdreg $0xC0  }
0xac: {  	_ =	task [dreg:s8], $0x5FFFF  }
0xad: {  	[dreg:$0x1] =	wrdreg $0xFFFFFFFF  }
0xae: {  	[dreg:$0x0] =	wrdreg $0x60  }
0xaf: {  	[dreg:$0x2] =	wrdreg s2  }
0xb0: {  	[dreg:$0x3] =	wrdreg s19  }
0xb1: {  	[dreg:$0x4] =	wrdreg $0x9  }
0xb2: {  	_ =	task.clear_ibuf [dreg:s8], $0x5FFFF;
	_ =	strace $0x90000046  }
0xb3: {  	s29 =	simm.s32 $0x9;
	_ =	strace $0x80000048  }
0xb4: {  	_ =	swait.ge [sflag:s29], $0x1  }
0xb5: {  	[sflag:s29] =	ssyncadd.s32 $0xFFFFFFFF  }
0xb6: {  	_ =	strace $0x90000048  }
0xb7: {  	_ =	sfence  }
0xb8: {  	s30 =	sld [smem:$0x0];
	_ =	sdelay $0x2  }
0xb9: {  	s31 =	sshll.u32 s1, $0xD;
	s1 =	sshrl.u32 s1, $0x2  }
0xba: {  	s3 =	sand.u32 $0x4000, s31;
	s1 =	sadd.s32 s1, s30  }
0xbb: {  	s0 =	sor.u32 s3, s0;
	s1 =	sshll.u32 s1, $0x11  }
0xbc: {  	s0 =	sor.u32 s1, s0  }
0xbd: {  	s0 =	sadd.s32 $0x8F2B, s0  }
0xbe: {  	[sflag:s0] =	ssyncadd.remote.s32 $0x1  }
0xbf: {  	_ =	sfence.sel $0xFFFF  }
0xc0: {  	[dreg:$0x0] =	wrdreg $0xFFFFFFFF;
	(pc) =	sbr.abs _section_cstart, $3  }
0xc1: {  	[dreg:$0x1] =	wrdreg $0xFFFFFFFF  }
0xc2: {  	_ =	task.clear_ibuf [dreg:s8], $0x2FFFF;
	_ =	strace $0x9FFFFFFF  }
0xc3: {  	(tm) =	ssettm $0x7FFFFFFF  }
tec
execute0_lowered:
.L_overlay_start_1:
0x0: {  	(tag) =	ssettag $0x1  }
0x1: {  	s29 =	rddreg [dreg:$0x0];
	s0 =	srdreg.scid  }
0x2: {  	s3 =	stileid.u32;
	s2 =	simm.s32 $0x0;
	s0 =	sand.u32 $0x1, s0  }
0x3: {  	s3 =	sshll.u32 s3, $0x11;
	[smem:$0x7FF] =	sst s2;
	s4 =	sshll.u32 s0, $0x10  }
0x4: {  	[dreg:$0xd] =	wrdreg s0;
	s30 =	sor.u32 s4, s3  }
0x5: {  	s1 =	rddreg [dreg:$0x1];
	_ =	strace $0x80000047;
	s3 =	sadd.s32 s29, s30  }
0x6: {  	s4 =	sor.u32 $0x1000, s30;
	s11 =	sadd.s32 s1, s30;
	[dreg:$0x3] =	wrdreg s3  }
0x7: {  	s5 =	sor.u32 $0x2000, s30;
	s10 =	sadd.s32 s29, s4;
	[dreg:$0x5] =	wrdreg s11  }
0x8: {  	s12 =	sadd.s32 s29, s5;
	[dreg:$0x4] =	wrdreg s10  }
0x9: {  	s14 =	sor.u32 $0x3000, s30;
	s13 =	sadd.s32 s1, s4;
	[dreg:$0x6] =	wrdreg s12  }
0xa: {  	s15 =	sadd.s32 s29, s14;
	[dreg:$0x7] =	wrdreg s13  }
0xb: {  	s16 =	sadd.s32 s1, s5;
	[dreg:$0x8] =	wrdreg s15  }
0xc: {  	s17 =	sor.u32 $0x4000, s30;
	[dreg:$0x9] =	wrdreg s16  }
0xd: {  	s18 =	sadd.s32 s29, s17;
	s19 =	rddreg [dreg:$0x3]  }
0xe: {  	s20 =	sadd.s32 s1, s14;
	[dreg:$0xa] =	wrdreg s18  }
0xf: {  	[dreg:$0xb] =	wrdreg s20  }
0x10: {  	[tilespmem:s2], [sflag:$0x1] =	stream.linear.gather [hbm4b:s19+s2], $0x8000, $0x38;
	[tilespmem:$0x10000] =	vst v63  }
0x11: {  	s3 =	simm.s32 $0x8000;
	s4 =	simm.s32 $0x1;
	s6 =	rddreg [dreg:$0x4]  }
0x12: {  	[tilespmem:s3], [sflag:$0x2] =	stream.linear.gather [hbm4b:s6+s2], $0x8000, $0x38;
	[tilespmem:$0x10000] =	vst v63  }
0x13: {  	_ =	swait.ge [sflag:s4], $0x8000  }
0x14: {  	[sflag:s4] =	ssyncset.done $0x0  }
0x15: {  	s5 =	simm.s32 $0x3;
	s21 =	rddreg [dreg:$0x5];
	[sflag:s4] =	ssyncadd.s32 $0xFFFF8000  }
0x16: {  	[hbm4b:s21+s2] =	stream.linear.scatter [tilespmem:s2], [sflag:$0x3], $0x8000, $0x38;
	[tilespmem:$0x10000] =	vst v63  }
0x17: {  	_ =	swait.ge [sflag:s5], $0x8000  }
0x18: {  	[sflag:s5] =	ssyncset.done $0x0  }
0x19: {  	s6 =	simm.s32 $0x2;
	s7 =	rddreg [dreg:$0x6];
	[sflag:s5] =	ssyncadd.s32 $0xFFFF8000  }
0x1a: {  	[tilespmem:s2], [sflag:$0x1] =	stream.linear.gather [hbm4b:s7+s2], $0x8000, $0x38;
	[tilespmem:$0x10000] =	vst v63  }
0x1b: {  	_ =	swait.ge [sflag:s6], $0x8000  }
0x1c: {  	[sflag:s6] =	ssyncset.done $0x0  }
0x1d: {  	s7 =	simm.s32 $0x4;
	s8 =	rddreg [dreg:$0x7];
	[sflag:s6] =	ssyncadd.s32 $0xFFFF8000  }
0x1e: {  	[hbm4b:s8+s2] =	stream.linear.scatter [tilespmem:s3], [sflag:$0x4], $0x8000, $0x38;
	[tilespmem:$0x10000] =	vst v63  }
0x1f: {  	_ =	swait.ge [sflag:s7], $0x8000  }
0x20: {  	[sflag:s7] =	ssyncset.done $0x0  }
0x21: {  	s22 =	rddreg [dreg:$0x8];
	[sflag:s7] =	ssyncadd.s32 $0xFFFF8000  }
0x22: {  	[tilespmem:s3], [sflag:$0x2] =	stream.linear.gather [hbm4b:s22+s2], $0x8000, $0x38;
	[tilespmem:$0x10000] =	vst v63  }
0x23: {  	_ =	swait.ge [sflag:s4], $0x8000  }
0x24: {  	[sflag:s4] =	ssyncset.done $0x0  }
0x25: {  	s23 =	rddreg [dreg:$0x9];
	[sflag:s4] =	ssyncadd.s32 $0xFFFF8000  }
0x26: {  	[hbm4b:s23+s2] =	stream.linear.scatter [tilespmem:s2], [sflag:$0x3], $0x8000, $0x38;
	[tilespmem:$0x10000] =	vst v63  }
0x27: {  	_ =	swait.ge [sflag:s5], $0x8000  }
0x28: {  	[sflag:s5] =	ssyncset.done $0x0  }
0x29: {  	s24 =	rddreg [dreg:$0xa];
	[sflag:s5] =	ssyncadd.s32 $0xFFFF8000  }
0x2a: {  	[tilespmem:s2], [sflag:$0x1] =	stream.linear.gather [hbm4b:s24+s2], $0x8000, $0x38;
	[tilespmem:$0x10000] =	vst v63  }
0x2b: {  	_ =	swait.ge [sflag:s6], $0x8000  }
0x2c: {  	[sflag:s6] =	ssyncset.done $0x0  }
0x2d: {  	s25 =	rddreg [dreg:$0xb];
	[sflag:s6] =	ssyncadd.s32 $0xFFFF8000  }
0x2e: {  	[hbm4b:s25+s2] =	stream.linear.scatter [tilespmem:s3], [sflag:$0x4], $0x8000, $0x38;
	[tilespmem:$0x10000] =	vst v63  }
0x2f: {  	s11 =	sor.u32 $0x5000, s30;
	_ =	swait.ge [sflag:s7], $0x8000  }
0x30: {  	s26 =	sadd.s32 s29, s11;
	[sflag:s7] =	ssyncset.done $0x0  }
0x31: {  	[dreg:$0xc] =	wrdreg s26;
	[sflag:s7] =	ssyncadd.s32 $0xFFFF8000  }
0x32: {  	[tilespmem:s3], [sflag:$0x2] =	stream.linear.gather [hbm4b:s26+s2], $0x8000, $0x38;
	[tilespmem:$0x10000] =	vst v63  }
0x33: {  	_ =	swait.ge [sflag:s4], $0x8000  }
0x34: {  	[sflag:s4] =	ssyncset.done $0x0  }
0x35: {  	s0 =	sadd.s32 s1, s17;
	[sflag:s4] =	ssyncadd.s32 $0xFFFF8000  }
0x36: {  	[hbm4b:s0+s2] =	stream.linear.scatter [tilespmem:s2], [sflag:$0x3], $0x8000, $0x38;
	[tilespmem:$0x10000] =	vst v63  }
0x37: {  	_ =	swait.ge [sflag:s5], $0x8000  }
0x38: {  	s13 =	sor.u32 $0x6000, s30;
	[sflag:s5] =	ssyncset.done $0x0  }
0x39: {  	s10 =	sadd.s32 s29, s13;
	[sflag:s5] =	ssyncadd.s32 $0xFFFF8000  }
0x3a: {  	[tilespmem:s2], [sflag:$0x1] =	stream.linear.gather [hbm4b:s10+s2], $0x8000, $0x38;
	[tilespmem:$0x10000] =	vst v63  }
0x3b: {  	_ =	swait.ge [sflag:s6], $0x8000  }
0x3c: {  	[sflag:s6] =	ssyncset.done $0x0  }
0x3d: {  	s11 =	sadd.s32 s1, s11;
	[sflag:s6] =	ssyncadd.s32 $0xFFFF8000  }
0x3e: {  	[hbm4b:s11+s2] =	stream.linear.scatter [tilespmem:s3], [sflag:$0x4], $0x8000, $0x38;
	[tilespmem:$0x10000] =	vst v63  }
0x3f: {  	_ =	swait.ge [sflag:s7], $0x8000  }
0x40: {  	s15 =	sor.u32 $0x7000, s30;
	[sflag:s7] =	ssyncset.done $0x0  }
0x41: {  	s12 =	sadd.s32 s29, s15;
	[sflag:s7] =	ssyncadd.s32 $0xFFFF8000  }
0x42: {  	[tilespmem:s3], [sflag:$0x2] =	stream.linear.gather [hbm4b:s12+s2], $0x8000, $0x38;
	[tilespmem:$0x10000] =	vst v63  }
0x43: {  	_ =	swait.ge [sflag:s4], $0x8000  }
0x44: {  	[sflag:s4] =	ssyncset.done $0x0  }
0x45: {  	s13 =	sadd.s32 s1, s13;
	[sflag:s4] =	ssyncadd.s32 $0xFFFF8000  }
0x46: {  	[hbm4b:s13+s2] =	stream.linear.scatter [tilespmem:s2], [sflag:$0x3], $0x8000, $0x38;
	[tilespmem:$0x10000] =	vst v63  }
0x47: {  	_ =	swait.ge [sflag:s5], $0x8000  }
0x48: {  	s17 =	sor.u32 $0x8000, s30;
	[sflag:s5] =	ssyncset.done $0x0  }
0x49: {  	s14 =	sadd.s32 s29, s17;
	[sflag:s5] =	ssyncadd.s32 $0xFFFF8000  }
0x4a: {  	[tilespmem:s2], [sflag:$0x1] =	stream.linear.gather [hbm4b:s14+s2], $0x8000, $0x38;
	[tilespmem:$0x10000] =	vst v63  }
0x4b: {  	_ =	swait.ge [sflag:s6], $0x8000  }
0x4c: {  	[sflag:s6] =	ssyncset.done $0x0  }
0x4d: {  	s15 =	sadd.s32 s1, s15;
	[sflag:s6] =	ssyncadd.s32 $0xFFFF8000  }
0x4e: {  	[hbm4b:s15+s2] =	stream.linear.scatter [tilespmem:s3], [sflag:$0x4], $0x8000, $0x38;
	[tilespmem:$0x10000] =	vst v63  }
0x4f: {  	_ =	swait.ge [sflag:s7], $0x8000  }
0x50: {  	s19 =	sor.u32 $0x9000, s30;
	[sflag:s7] =	ssyncset.done $0x0  }
0x51: {  	s16 =	sadd.s32 s29, s19;
	[sflag:s7] =	ssyncadd.s32 $0xFFFF8000  }
0x52: {  	[tilespmem:s3], [sflag:$0x2] =	stream.linear.gather [hbm4b:s16+s2], $0x8000, $0x38;
	[tilespmem:$0x10000] =	vst v63  }
0x53: {  	_ =	swait.ge [sflag:s4], $0x8000  }
0x54: {  	[sflag:s4] =	ssyncset.done $0x0  }
0x55: {  	s17 =	sadd.s32 s1, s17;
	[sflag:s4] =	ssyncadd.s32 $0xFFFF8000  }
0x56: {  	[hbm4b:s17+s2] =	stream.linear.scatter [tilespmem:s2], [sflag:$0x3], $0x8000, $0x38;
	[tilespmem:$0x10000] =	vst v63  }
0x57: {  	_ =	swait.ge [sflag:s5], $0x8000  }
0x58: {  	s21 =	sor.u32 $0xA000, s30;
	[sflag:s5] =	ssyncset.done $0x0  }
0x59: {  	s18 =	sadd.s32 s29, s21;
	[sflag:s5] =	ssyncadd.s32 $0xFFFF8000  }
0x5a: {  	[tilespmem:s2], [sflag:$0x1] =	stream.linear.gather [hbm4b:s18+s2], $0x8000, $0x38;
	[tilespmem:$0x10000] =	vst v63  }
0x5b: {  	_ =	swait.ge [sflag:s6], $0x8000  }
0x5c: {  	[sflag:s6] =	ssyncset.done $0x0  }
0x5d: {  	s19 =	sadd.s32 s1, s19;
	[sflag:s6] =	ssyncadd.s32 $0xFFFF8000  }
0x5e: {  	[hbm4b:s19+s2] =	stream.linear.scatter [tilespmem:s3], [sflag:$0x4], $0x8000, $0x38;
	[tilespmem:$0x10000] =	vst v63  }
0x5f: {  	_ =	swait.ge [sflag:s7], $0x8000  }
0x60: {  	s23 =	sor.u32 $0xB000, s30;
	[sflag:s7] =	ssyncset.done $0x0  }
0x61: {  	s20 =	sadd.s32 s29, s23;
	[sflag:s7] =	ssyncadd.s32 $0xFFFF8000  }
0x62: {  	[tilespmem:s3], [sflag:$0x2] =	stream.linear.gather [hbm4b:s20+s2], $0x8000, $0x38;
	[tilespmem:$0x10000] =	vst v63  }
0x63: {  	_ =	swait.ge [sflag:s4], $0x8000  }
0x64: {  	[sflag:s4] =	ssyncset.done $0x0  }
0x65: {  	s21 =	sadd.s32 s1, s21;
	[sflag:s4] =	ssyncadd.s32 $0xFFFF8000  }
0x66: {  	[hbm4b:s21+s2] =	stream.linear.scatter [tilespmem:s2], [sflag:$0x3], $0x8000, $0x38;
	[tilespmem:$0x10000] =	vst v63  }
0x67: {  	_ =	swait.ge [sflag:s5], $0x8000  }
0x68: {  	s25 =	sor.u32 $0xC000, s30;
	[sflag:s5] =	ssyncset.done $0x0  }
0x69: {  	s22 =	sadd.s32 s29, s25;
	[sflag:s5] =	ssyncadd.s32 $0xFFFF8000  }
0x6a: {  	[tilespmem:s2], [sflag:$0x1] =	stream.linear.gather [hbm4b:s22+s2], $0x8000, $0x38;
	[tilespmem:$0x10000] =	vst v63  }
0x6b: {  	_ =	swait.ge [sflag:s6], $0x8000  }
0x6c: {  	[sflag:s6] =	ssyncset.done $0x0  }
0x6d: {  	s23 =	sadd.s32 s1, s23;
	[sflag:s6] =	ssyncadd.s32 $0xFFFF8000  }
0x6e: {  	[hbm4b:s23+s2] =	stream.linear.scatter [tilespmem:s3], [sflag:$0x4], $0x8000, $0x38;
	[tilespmem:$0x10000] =	vst v63  }
0x6f: {  	_ =	swait.ge [sflag:s7], $0x8000  }
0x70: {  	s28 =	sor.u32 $0xD000, s30;
	[sflag:s7] =	ssyncset.done $0x0  }
0x71: {  	s24 =	sadd.s32 s29, s28;
	[sflag:s7] =	ssyncadd.s32 $0xFFFF8000  }
0x72: {  	[tilespmem:s3], [sflag:$0x2] =	stream.linear.gather [hbm4b:s24+s2], $0x8000, $0x38;
	[tilespmem:$0x10000] =	vst v63  }
0x73: {  	_ =	swait.ge [sflag:s4], $0x8000  }
0x74: {  	[sflag:s4] =	ssyncset.done $0x0  }
0x75: {  	s25 =	sadd.s32 s1, s25;
	[sflag:s4] =	ssyncadd.s32 $0xFFFF8000  }
0x76: {  	[hbm4b:s25+s2] =	stream.linear.scatter [tilespmem:s2], [sflag:$0x3], $0x8000, $0x38;
	[tilespmem:$0x10000] =	vst v63  }
0x77: {  	_ =	swait.ge [sflag:s5], $0x8000  }
0x78: {  	s31 =	sor.u32 $0xE000, s30;
	[sflag:s5] =	ssyncset.done $0x0  }
0x79: {  	s26 =	sadd.s32 s29, s31;
	[sflag:s5] =	ssyncadd.s32 $0xFFFF8000  }
0x7a: {  	[tilespmem:s2], [sflag:$0x1] =	stream.linear.gather [hbm4b:s26+s2], $0x8000, $0x38;
	[tilespmem:$0x10000] =	vst v63  }
0x7b: {  	_ =	swait.ge [sflag:s6], $0x8000  }
0x7c: {  	[sflag:s6] =	ssyncset.done $0x0  }
0x7d: {  	s28 =	sadd.s32 s1, s28;
	[sflag:s6] =	ssyncadd.s32 $0xFFFF8000  }
0x7e: {  	[hbm4b:s28+s2] =	stream.linear.scatter [tilespmem:s3], [sflag:$0x4], $0x8000, $0x38;
	[tilespmem:$0x10000] =	vst v63  }
0x7f: {  	_ =	swait.ge [sflag:s7], $0x8000  }
0x80: {  	s8 =	sor.u32 $0xF000, s30;
	[sflag:s7] =	ssyncset.done $0x0  }
0x81: {  	s29 =	sadd.s32 s29, s8;
	[sflag:s7] =	ssyncadd.s32 $0xFFFF8000  }
0x82: {  	[tilespmem:s3], [sflag:$0x2] =	stream.linear.gather [hbm4b:s29+s2], $0x8000, $0x38;
	[tilespmem:$0x10000] =	vst v63  }
0x83: {  	_ =	swait.ge [sflag:s4], $0x8000  }
0x84: {  	[sflag:s4] =	ssyncset.done $0x0  }
0x85: {  	s30 =	sadd.s32 s1, s31;
	[sflag:s4] =	ssyncadd.s32 $0xFFFF8000  }
0x86: {  	[hbm4b:s30+s2] =	stream.linear.scatter [tilespmem:s2], [sflag:$0x3], $0x8000, $0x38;
	[tilespmem:$0x10000] =	vst v63  }
0x87: {  	_ =	swait.ge [sflag:s6], $0x8000  }
0x88: {  	s31 =	sadd.s32 s1, s8;
	[sflag:s6] =	ssyncset.done $0x0;
	s1 =	rddreg [dreg:$0xd]  }
0x89: {  	s9 =	smov.u32 s0;
	s0 =	ssub.s32 $0x2, s1;
	[sflag:s6] =	ssyncadd.s32 $0xFFFF8000  }
0x8a: {  	[hbm4b:s31+s2] =	stream.linear.scatter [tilespmem:s3], [sflag:$0x4], $0x8000, $0x38;
	[tilespmem:$0x10000] =	vst v63  }
0x8b: {  	s8 =	sshrl.u32 s0, $0x1  }
0x8c: {  	s0 =	ssub.s32 s0, s8  }
0x8d: {  	s0 =	smax.u32 s0, $0x1  }
0x8e: {  	p0 =	sne.s32 s0, $0x1  }
.Ltmp0:
0x8f: {  	_ =	swait.ge [sflag:s5], $0x8000;
	(pc) =	sbr.rel @!p0 .LBB2_2-.Ltmp0, $4  }
0x90: {  	[sflag:s5] =	ssyncset.done $0x0  }
0x91: {  	[sflag:s5] =	ssyncadd.s32 $0xFFFF8000  }
0x92: {  	_ =	swait.ge [sflag:s7], $0x8000  }
0x93: {  	s0 =	sadd.s32 $0xFFFFFFFF, s0;
	[sflag:s7] =	ssyncset.done $0x0  }
.LBB2_1:
0x94: {  	s1 =	rddreg [dreg:$0x3];
	[sflag:s7] =	ssyncadd.s32 $0xFFFF8000  }
0x95: {  	[tilespmem:s2], [sflag:$0x1] =	stream.linear.gather [hbm4b:s1+s2], $0x8000, $0x38;
	[tilespmem:$0x10000] =	vst v63  }
0x96: {  	s8 =	rddreg [dreg:$0x4]  }
0x97: {  	[tilespmem:s3], [sflag:$0x2] =	stream.linear.gather [hbm4b:s8+s2], $0x8000, $0x38;
	[tilespmem:$0x10000] =	vst v63  }
0x98: {  	_ =	swait.ge [sflag:s4], $0x8000  }
0x99: {  	[sflag:s4] =	ssyncset.done $0x0  }
0x9a: {  	s8 =	rddreg [dreg:$0x5];
	[sflag:s4] =	ssyncadd.s32 $0xFFFF8000  }
0x9b: {  	[hbm4b:s8+s2] =	stream.linear.scatter [tilespmem:s2], [sflag:$0x3], $0x8000, $0x38;
	[tilespmem:$0x10000] =	vst v63  }
0x9c: {  	_ =	swait.ge [sflag:s5], $0x8000  }
0x9d: {  	[sflag:s5] =	ssyncset.done $0x0  }
0x9e: {  	s8 =	rddreg [dreg:$0x6];
	[sflag:s5] =	ssyncadd.s32 $0xFFFF8000  }
0x9f: {  	[tilespmem:s2], [sflag:$0x1] =	stream.linear.gather [hbm4b:s8+s2], $0x8000, $0x38;
	[tilespmem:$0x10000] =	vst v63  }
0xa0: {  	_ =	swait.ge [sflag:s6], $0x8000  }
0xa1: {  	[sflag:s6] =	ssyncset.done $0x0  }
0xa2: {  	s8 =	rddreg [dreg:$0x7];
	[sflag:s6] =	ssyncadd.s32 $0xFFFF8000  }
0xa3: {  	[hbm4b:s8+s2] =	stream.linear.scatter [tilespmem:s3], [sflag:$0x4], $0x8000, $0x38;
	[tilespmem:$0x10000] =	vst v63  }
0xa4: {  	_ =	swait.ge [sflag:s7], $0x8000  }
0xa5: {  	[sflag:s7] =	ssyncset.done $0x0  }
0xa6: {  	s8 =	rddreg [dreg:$0x8];
	[sflag:s7] =	ssyncadd.s32 $0xFFFF8000  }
0xa7: {  	[tilespmem:s3], [sflag:$0x2] =	stream.linear.gather [hbm4b:s8+s2], $0x8000, $0x38;
	[tilespmem:$0x10000] =	vst v63  }
0xa8: {  	_ =	swait.ge [sflag:s4], $0x8000  }
0xa9: {  	[sflag:s4] =	ssyncset.done $0x0  }
0xaa: {  	s8 =	rddreg [dreg:$0x9];
	[sflag:s4] =	ssyncadd.s32 $0xFFFF8000  }
0xab: {  	[hbm4b:s8+s2] =	stream.linear.scatter [tilespmem:s2], [sflag:$0x3], $0x8000, $0x38;
	[tilespmem:$0x10000] =	vst v63  }
0xac: {  	_ =	swait.ge [sflag:s5], $0x8000  }
0xad: {  	[sflag:s5] =	ssyncset.done $0x0  }
0xae: {  	s8 =	rddreg [dreg:$0xa];
	[sflag:s5] =	ssyncadd.s32 $0xFFFF8000  }
0xaf: {  	[tilespmem:s2], [sflag:$0x1] =	stream.linear.gather [hbm4b:s8+s2], $0x8000, $0x38;
	[tilespmem:$0x10000] =	vst v63  }
0xb0: {  	_ =	swait.ge [sflag:s6], $0x8000  }
0xb1: {  	[sflag:s6] =	ssyncset.done $0x0  }
0xb2: {  	s8 =	rddreg [dreg:$0xb];
	[sflag:s6] =	ssyncadd.s32 $0xFFFF8000  }
0xb3: {  	[hbm4b:s8+s2] =	stream.linear.scatter [tilespmem:s3], [sflag:$0x4], $0x8000, $0x38;
	[tilespmem:$0x10000] =	vst v63  }
0xb4: {  	_ =	swait.ge [sflag:s7], $0x8000  }
0xb5: {  	[sflag:s7] =	ssyncset.done $0x0  }
0xb6: {  	s8 =	rddreg [dreg:$0xc];
	[sflag:s7] =	ssyncadd.s32 $0xFFFF8000  }
0xb7: {  	[tilespmem:s3], [sflag:$0x2] =	stream.linear.gather [hbm4b:s8+s2], $0x8000, $0x38;
	[tilespmem:$0x10000] =	vst v63  }
0xb8: {  	_ =	swait.ge [sflag:s4], $0x8000  }
0xb9: {  	[sflag:s4] =	ssyncset.done $0x0  }
0xba: {  	[sflag:s4] =	ssyncadd.s32 $0xFFFF8000  }
0xbb: {  	[hbm4b:s9+s2] =	stream.linear.scatter [tilespmem:s2], [sflag:$0x3], $0x8000, $0x38;
	[tilespmem:$0x10000] =	vst v63  }
0xbc: {  	_ =	swait.ge [sflag:s5], $0x8000  }
0xbd: {  	[sflag:s5] =	ssyncset.done $0x0  }
0xbe: {  	[sflag:s5] =	ssyncadd.s32 $0xFFFF8000  }
0xbf: {  	[tilespmem:s2], [sflag:$0x1] =	stream.linear.gather [hbm4b:s10+s2], $0x8000, $0x38;
	[tilespmem:$0x10000] =	vst v63  }
0xc0: {  	_ =	swait.ge [sflag:s6], $0x8000  }
0xc1: {  	[sflag:s6] =	ssyncset.done $0x0  }
0xc2: {  	[sflag:s6] =	ssyncadd.s32 $0xFFFF8000  }
0xc3: {  	[hbm4b:s11+s2] =	stream.linear.scatter [tilespmem:s3], [sflag:$0x4], $0x8000, $0x38;
	[tilespmem:$0x10000] =	vst v63  }
0xc4: {  	_ =	swait.ge [sflag:s7], $0x8000  }
0xc5: {  	[sflag:s7] =	ssyncset.done $0x0  }
0xc6: {  	[sflag:s7] =	ssyncadd.s32 $0xFFFF8000  }
0xc7: {  	[tilespmem:s3], [sflag:$0x2] =	stream.linear.gather [hbm4b:s12+s2], $0x8000, $0x38;
	[tilespmem:$0x10000] =	vst v63  }
0xc8: {  	_ =	swait.ge [sflag:s4], $0x8000  }
0xc9: {  	[sflag:s4] =	ssyncset.done $0x0  }
0xca: {  	[sflag:s4] =	ssyncadd.s32 $0xFFFF8000  }
0xcb: {  	[hbm4b:s13+s2] =	stream.linear.scatter [tilespmem:s2], [sflag:$0x3], $0x8000, $0x38;
	[tilespmem:$0x10000] =	vst v63  }
0xcc: {  	_ =	swait.ge [sflag:s5], $0x8000  }
0xcd: {  	[sflag:s5] =	ssyncset.done $0x0  }
0xce: {  	[sflag:s5] =	ssyncadd.s32 $0xFFFF8000  }
0xcf: {  	[tilespmem:s2], [sflag:$0x1] =	stream.linear.gather [hbm4b:s14+s2], $0x8000, $0x38;
	[tilespmem:$0x10000] =	vst v63  }
0xd0: {  	_ =	swait.ge [sflag:s6], $0x8000  }
0xd1: {  	[sflag:s6] =	ssyncset.done $0x0  }
0xd2: {  	[sflag:s6] =	ssyncadd.s32 $0xFFFF8000  }
0xd3: {  	[hbm4b:s15+s2] =	stream.linear.scatter [tilespmem:s3], [sflag:$0x4], $0x8000, $0x38;
	[tilespmem:$0x10000] =	vst v63  }
0xd4: {  	_ =	swait.ge [sflag:s7], $0x8000  }
0xd5: {  	[sflag:s7] =	ssyncset.done $0x0  }
0xd6: {  	[sflag:s7] =	ssyncadd.s32 $0xFFFF8000  }
0xd7: {  	[tilespmem:s3], [sflag:$0x2] =	stream.linear.gather [hbm4b:s16+s2], $0x8000, $0x38;
	[tilespmem:$0x10000] =	vst v63  }
0xd8: {  	_ =	swait.ge [sflag:s4], $0x8000  }
0xd9: {  	[sflag:s4] =	ssyncset.done $0x0  }
0xda: {  	[sflag:s4] =	ssyncadd.s32 $0xFFFF8000  }
0xdb: {  	[hbm4b:s17+s2] =	stream.linear.scatter [tilespmem:s2], [sflag:$0x3], $0x8000, $0x38;
	[tilespmem:$0x10000] =	vst v63  }
0xdc: {  	_ =	swait.ge [sflag:s5], $0x8000  }
0xdd: {  	[sflag:s5] =	ssyncset.done $0x0  }
0xde: {  	[sflag:s5] =	ssyncadd.s32 $0xFFFF8000  }
0xdf: {  	[tilespmem:s2], [sflag:$0x1] =	stream.linear.gather [hbm4b:s18+s2], $0x8000, $0x38;
	[tilespmem:$0x10000] =	vst v63  }
0xe0: {  	_ =	swait.ge [sflag:s6], $0x8000  }
0xe1: {  	[sflag:s6] =	ssyncset.done $0x0  }
0xe2: {  	[sflag:s6] =	ssyncadd.s32 $0xFFFF8000  }
0xe3: {  	[hbm4b:s19+s2] =	stream.linear.scatter [tilespmem:s3], [sflag:$0x4], $0x8000, $0x38;
	[tilespmem:$0x10000] =	vst v63  }
0xe4: {  	_ =	swait.ge [sflag:s7], $0x8000  }
0xe5: {  	[sflag:s7] =	ssyncset.done $0x0  }
0xe6: {  	[sflag:s7] =	ssyncadd.s32 $0xFFFF8000  }
0xe7: {  	[tilespmem:s3], [sflag:$0x2] =	stream.linear.gather [hbm4b:s20+s2], $0x8000, $0x38;
	[tilespmem:$0x10000] =	vst v63  }
0xe8: {  	_ =	swait.ge [sflag:s4], $0x8000  }
0xe9: {  	[sflag:s4] =	ssyncset.done $0x0  }
0xea: {  	[sflag:s4] =	ssyncadd.s32 $0xFFFF8000  }
0xeb: {  	[hbm4b:s21+s2] =	stream.linear.scatter [tilespmem:s2], [sflag:$0x3], $0x8000, $0x38;
	[tilespmem:$0x10000] =	vst v63  }
0xec: {  	_ =	swait.ge [sflag:s5], $0x8000  }
0xed: {  	[sflag:s5] =	ssyncset.done $0x0  }
0xee: {  	[sflag:s5] =	ssyncadd.s32 $0xFFFF8000  }
0xef: {  	[tilespmem:s2], [sflag:$0x1] =	stream.linear.gather [hbm4b:s22+s2], $0x8000, $0x38;
	[tilespmem:$0x10000] =	vst v63  }
0xf0: {  	_ =	swait.ge [sflag:s6], $0x8000  }
0xf1: {  	[sflag:s6] =	ssyncset.done $0x0  }
0xf2: {  	[sflag:s6] =	ssyncadd.s32 $0xFFFF8000  }
0xf3: {  	[hbm4b:s23+s2] =	stream.linear.scatter [tilespmem:s3], [sflag:$0x4], $0x8000, $0x38;
	[tilespmem:$0x10000] =	vst v63  }
0xf4: {  	_ =	swait.ge [sflag:s7], $0x8000  }
0xf5: {  	[sflag:s7] =	ssyncset.done $0x0  }
0xf6: {  	[sflag:s7] =	ssyncadd.s32 $0xFFFF8000  }
0xf7: {  	[tilespmem:s3], [sflag:$0x2] =	stream.linear.gather [hbm4b:s24+s2], $0x8000, $0x38;
	[tilespmem:$0x10000] =	vst v63  }
0xf8: {  	_ =	swait.ge [sflag:s4], $0x8000  }
0xf9: {  	[sflag:s4] =	ssyncset.done $0x0  }
0xfa: {  	[sflag:s4] =	ssyncadd.s32 $0xFFFF8000  }
0xfb: {  	[hbm4b:s25+s2] =	stream.linear.scatter [tilespmem:s2], [sflag:$0x3], $0x8000, $0x38;
	[tilespmem:$0x10000] =	vst v63  }
0xfc: {  	_ =	swait.ge [sflag:s5], $0x8000  }
0xfd: {  	[sflag:s5] =	ssyncset.done $0x0  }
0xfe: {  	[sflag:s5] =	ssyncadd.s32 $0xFFFF8000  }
0xff: {  	[tilespmem:s2], [sflag:$0x1] =	stream.linear.gather [hbm4b:s26+s2], $0x8000, $0x38;
	[tilespmem:$0x10000] =	vst v63  }
0x100: {  	_ =	swait.ge [sflag:s6], $0x8000  }
0x101: {  	[sflag:s6] =	ssyncset.done $0x0  }
0x102: {  	[sflag:s6] =	ssyncadd.s32 $0xFFFF8000  }
0x103: {  	[hbm4b:s28+s2] =	stream.linear.scatter [tilespmem:s3], [sflag:$0x4], $0x8000, $0x38;
	[tilespmem:$0x10000] =	vst v63  }
0x104: {  	_ =	swait.ge [sflag:s7], $0x8000  }
0x105: {  	[sflag:s7] =	ssyncset.done $0x0  }
0x106: {  	[sflag:s7] =	ssyncadd.s32 $0xFFFF8000  }
0x107: {  	[tilespmem:s3], [sflag:$0x2] =	stream.linear.gather [hbm4b:s29+s2], $0x8000, $0x38;
	[tilespmem:$0x10000] =	vst v63  }
0x108: {  	_ =	swait.ge [sflag:s4], $0x8000  }
0x109: {  	[sflag:s4] =	ssyncset.done $0x0  }
0x10a: {  	[sflag:s4] =	ssyncadd.s32 $0xFFFF8000  }
0x10b: {  	[hbm4b:s30+s2] =	stream.linear.scatter [tilespmem:s2], [sflag:$0x3], $0x8000, $0x38;
	[tilespmem:$0x10000] =	vst v63  }
0x10c: {  	_ =	swait.ge [sflag:s6], $0x8000  }
0x10d: {  	[sflag:s6] =	ssyncset.done $0x0  }
0x10e: {  	p0 =	sne.s32 s0, $0x1;
	[sflag:s6] =	ssyncadd.s32 $0xFFFF8000  }
0x10f: {  	[hbm4b:s31+s2] =	stream.linear.scatter [tilespmem:s3], [sflag:$0x4], $0x8000, $0x38;
	[tilespmem:$0x10000] =	vst v63  }
.Ltmp1:
0x110: {  	_ =	swait.ge [sflag:s5], $0x8000;
	(pc) =	sbr.rel @p0 .LBB2_1-.Ltmp1, $4  }
0x111: {  	[sflag:s5] =	ssyncset.done $0x0  }
0x112: {  	[sflag:s5] =	ssyncadd.s32 $0xFFFF8000  }
0x113: {  	_ =	swait.ge [sflag:s7], $0x8000  }
0x114: {  	s0 =	sadd.s32 $0xFFFFFFFF, s0;
	[sflag:s7] =	ssyncset.done $0x0  }
.LBB2_2:
0x115: {  	[sflag:s7] =	ssyncadd.s32 $0xFFFF8000  }
0x116: {  	_ =	sfence.sel $0x180000  }
0x117: {  	[bflag:$0x0] =	sbarrier.arrive $0xFFFF  }
0x118: {  	_ =	strace $0x90000047  }
0x119: {  	s0 =	stileid.u32;
	[bflag:$0x2] =	sbarrier.arrive $0xFFFF  }
0x11a: {  	p0 =	sne.s32 s0, $0x0;
	s0 =	rddreg [dreg:$0x2]  }
0x11b: {  	s0 =	sadd.s32 @!p0 $0x100000, s0  }
0x11c: {  	[sflag:s0] =	ssyncadd.tile.s32 @!p0 $0x1;
	_ =	shalt  }
.Lfunc_end2:
_tile_overlayer_lowered:
.L_overlay_start_2:
0x11d: {  	(tag) =	ssettag $0x2  }
0x11e: {  	s0 =	rddreg [dreg:$0x0];
	s2 =	stileid.u32  }
0x11f: {  	s1 =	rddreg [dreg:$0x1];
	p0 =	sne.s32 s2, $0x0  }
0x120: {  	s3 =	rddreg [dreg:$0x2];
	[bflag:$0x3] =	sbarrier.arrive $0xFFFF;
	s2 =	simm.s32 @!p0 $0x1C05  }
0x121: {  	[timem:s3], [sflag:s2] =	dma.local @!p0 [hbm:s0], s1  }
0x122: {  	s0 =	simm.s32 @!p0 $0x5  }
0x123: {  	_ =	swait.ge @!p0 [sflag:s0], s1  }
0x124: {  	s1 =	ssub.s32 @!p0 $0x0, s1;
	[sflag:s0] =	ssyncset.done @!p0 $0x0  }
0x125: {  	[sflag:s0] =	ssyncadd.s32 @!p0 s1  }
0x126: {  	[bflag:$0x3] =	sbarrier.arrive $0xFFFF  }
0x127: {  	_ =	shalt  }

</sc_bundles>
